<compile_context>
chip_gen: v7x
topology: tpu7x:2x2x1
jax: 0.10.2.dev20260603
libtpu: 0.0.44.dev20260713+nightly
codegen_flags: <defaults>
</compile_context>

<pallas_src>
import functools

import jax
import jax.numpy as jnp
import numpy as np
from jax import lax
from jax.experimental import pallas as pl
from jax.experimental.pallas import tpu as pltpu
from jax.experimental.pallas import tpu_sc as plsc

D = 64
L_SEQ = 200
NC = 2
NS = 16
NW = NC * NS
LANES = 16


def _sinusoidal_pe_np(length, d_model):
    pos = np.arange(length, dtype=np.float32)[:, None]
    div = np.exp(
        np.arange(0, d_model, 2, dtype=np.float32) * (-np.log(10000.0) / d_model)
    )
    pe = np.zeros((length, d_model), dtype=np.float32)
    pe[:, 0::2] = np.sin(pos * div)
    pe[:, 1::2] = np.cos(pos * div)
    return pe


@functools.partial(jax.jit, static_argnames=("n_rows",))
def _embed(idx, table, pe, n_rows):
    rows_per_w = n_rows // NW
    seqs_per_w = rows_per_w // L_SEQ
    mesh = plsc.VectorSubcoreMesh(core_axis_name="c", subcore_axis_name="s")

    @functools.partial(
        pl.kernel,
        out_type=jax.ShapeDtypeStruct((n_rows, D), jnp.float32),
        mesh=mesh,
        scratch_types=[
            pltpu.VMEM((rows_per_w,), jnp.int32),
            pltpu.VMEM((L_SEQ, D), jnp.float32),
            pltpu.VMEM((2, L_SEQ, 2 * D), jnp.float32),
            pltpu.VMEM((L_SEQ, D), jnp.float32),
            pltpu.SemaphoreType.DMA,
            pltpu.SemaphoreType.DMA,
        ],
        compiler_params=pltpu.CompilerParams(use_tc_tiling_on_sc=True),
    )
    def k(table_hbm, idx_hbm, pe_hbm, out_hbm,
          idx_v, pe_v, rows_v, out_v, sem0, sem1):
        wid = lax.axis_index("s") * NC + lax.axis_index("c")
        base = wid * rows_per_w
        pltpu.sync_copy(idx_hbm.at[pl.ds(base, rows_per_w)], idx_v)
        pltpu.sync_copy(pe_hbm, pe_v)
        sems = (sem0, sem1)

        def start(s, b):
            pltpu.async_copy(
                table_hbm.at[idx_v.at[pl.ds(s * L_SEQ, L_SEQ)]],
                rows_v.at[b],
                sems[b],
            )

        def wait(s, b):
            pltpu.make_async_copy(
                table_hbm.at[idx_v.at[pl.ds(s * L_SEQ, L_SEQ)]],
                rows_v.at[b],
                sems[b],
            ).wait()

        def process(s, b):
            wait(s, b)
            rbuf = rows_v.at[b]

            def row(i, _):
                for d in range(D // LANES):
                    sl = pl.ds(d * LANES, LANES)
                    out_v[i, sl] = rbuf[i, sl] + pe_v[i, sl]
                return 0

            lax.fori_loop(0, L_SEQ, row, 0)
            pltpu.sync_copy(out_v, out_hbm.at[pl.ds(base + s * L_SEQ, L_SEQ)])

        start(0, 0)
        start(1, 1)

        def body(g, _):
            s = 2 * g
            process(s, 0)
            start(s + 2, 0)
            process(s + 1, 1)
            start(s + 3, 1)
            return 0

        lax.fori_loop(0, seqs_per_w // 2 - 1, body, 0)
        process(seqs_per_w - 2, 0)
        process(seqs_per_w - 1, 1)

    return k(table, idx, pe)


def kernel(sequence, token_table):
    B, L = sequence.shape
    V, d = token_table.shape
    flat = sequence.reshape(-1).astype(jnp.int32)
    padded = jnp.pad(token_table.T, ((0, 128 - d), (0, 0))).T
    pe = jnp.asarray(_sinusoidal_pe_np(L, d))
    out = _embed(flat, padded, pe, B * L)
    return out.reshape(B, L, d)

# --- scband reference (transcript-rebuilt; emitter-appended) ---
"""Pipeline reference for scband-bertembedding-23725399343772 (READ-ONLY COPY).

The authoritative reference and input builder live on the scoring server;
editing this copy changes nothing except your own understanding.
"""

import jax, jax.numpy as jnp
import numpy as np

VOCAB = 1000000
D = 64
B = 1024
L = 200


def _sinusoidal_pe(length, d_model):
    pos = np.arange(length, dtype=np.float32)[:, None]
    div = np.exp(np.arange(0, d_model, 2, dtype=np.float32) * (-np.log(10000.0) / d_model))
    pe = np.zeros((length, d_model), dtype=np.float32)
    pe[:, 0::2] = np.sin(pos * div)
    pe[:, 1::2] = np.cos(pos * div)
    return jnp.asarray(pe)


def setup_inputs(seed: int = 0) -> dict:
    key = jax.random.key(seed)
    k1, k2 = jax.random.split(key)
    sequence = jax.random.randint(k1, (B, L), 0, VOCAB).astype(jnp.int64)
    # Learned token embedding table (nn.Embedding weight), init ~ N(0, 0.02)
    token_table = jax.random.normal(k2, (VOCAB, D), dtype=jnp.float32) * 0.02
    return {"sequence": sequence, "token_table": token_table}


def reference(sequence, token_table):
    # TokenEmbedding: gather rows from the embedding table
    tok = jnp.take(token_table, sequence, axis=0)  # [B, L, D]
    # PositionalEmbedding: add fixed sinusoidal encodings, then dropout
    # (dropout is identity in eval / deterministic mode)
    pe = _sinusoidal_pe(sequence.shape[1], token_table.shape[1])
    return tok + pe[None, :, :]

if __name__ == "__main__":
    import jax
    _d = setup_inputs()
    print(jax.jit(kernel)(*tuple(_d.values())))

</pallas_src>

<mosaic_0001>
#map = affine_map<(d0, d1) -> (0, 0)>
#map1 = affine_map<(d0, d1) -> (0)>
module attributes {stable_mosaic.version = 14 : i64} {
  func.func @k(%arg0: i32, %arg1: i32, %arg2: memref<1000000x128xf32, #tpu.memory_space<hbm>>, %arg3: memref<204800xi32, #tpu.memory_space<hbm>>, %arg4: memref<200x64xf32, #tpu.memory_space<hbm>>, %arg5: memref<204800x64xf32, #tpu.memory_space<hbm>>, %arg6: memref<6400xi32, #tpu.memory_space<vmem>>, %arg7: memref<200x64xf32, #tpu.memory_space<vmem>>, %arg8: memref<2x200x128xf32, #tpu.memory_space<vmem>>, %arg9: memref<200x64xf32, #tpu.memory_space<vmem>>, %arg10: memref<!tpu.dma_semaphore, #tpu.memory_space<semaphore_mem>>, %arg11: memref<!tpu.dma_semaphore, #tpu.memory_space<semaphore_mem>>) attributes {dimension_semantics = [#tpu.dimension_semantics<core_parallel>, #tpu.dimension_semantics<subcore_parallel>], iteration_bounds = array<i64: 2, 16>, scalar_prefetch = 0 : i64, scratch_operands = 6 : i64, tpu.core_type = #tpu.core_type<sc_vector_subcore>, window_params = [{transform_indices = #map}, {transform_indices = #map1}, {transform_indices = #map}, {transform_indices = #map}]} {
    %mul3A = arith.constant 2 : i32
    %mul3A_0 = arith.muli %arg1, %mul3A : i32
    %add3A = arith.addi %mul3A_0, %arg0 : i32
    %mul3A_1 = arith.constant 6400 : i32
    %mul3A_2 = arith.muli %add3A, %mul3A_1 : i32
    "tpu.region"() ({
      %run_scoped3A = tpu.sem_alloc : memref<!tpu.dma_semaphore, #tpu.memory_space<semaphore_mem>>
      %dma_start3A_67 = tpu.memref_slice %arg3[%mul3A_2] : memref<204800xi32, #tpu.memory_space<hbm>> -> memref<6400xi32, #tpu.memory_space<hbm>>
      %dma_start3A_68 = tpu.memref_slice %arg3[%mul3A_2] : memref<204800xi32, #tpu.memory_space<hbm>> -> memref<6400xi32, #tpu.memory_space<hbm>>
      tpu.enqueue_dma source(%dma_start3A_68 : memref<6400xi32, #tpu.memory_space<hbm>>) target(%arg6 : memref<6400xi32, #tpu.memory_space<vmem>>) target_semaphore(%run_scoped3A : memref<!tpu.dma_semaphore, #tpu.memory_space<semaphore_mem>>)
      %dma_wait3A_69 = tpu.memref_slice %arg3[%mul3A_2] : memref<204800xi32, #tpu.memory_space<hbm>> -> memref<6400xi32, #tpu.memory_space<hbm>>
      %dma_wait3A_70 = tpu.memref_slice %arg3[%mul3A_2] : memref<204800xi32, #tpu.memory_space<hbm>> -> memref<6400xi32, #tpu.memory_space<hbm>>
      tpu.wait_dma2 semaphore(%run_scoped3A : memref<!tpu.dma_semaphore, #tpu.memory_space<semaphore_mem>>) src(%dma_wait3A_70 : memref<6400xi32, #tpu.memory_space<hbm>>) dst(%arg6 : memref<6400xi32, #tpu.memory_space<vmem>>)
      tpu.yield
    }) : () -> ()
    "tpu.region"() ({
      %run_scoped3A = tpu.sem_alloc : memref<!tpu.dma_semaphore, #tpu.memory_space<semaphore_mem>>
      tpu.enqueue_dma source(%arg4 : memref<200x64xf32, #tpu.memory_space<hbm>>) target(%arg7 : memref<200x64xf32, #tpu.memory_space<vmem>>) target_semaphore(%run_scoped3A : memref<!tpu.dma_semaphore, #tpu.memory_space<semaphore_mem>>)
      tpu.wait_dma2 semaphore(%run_scoped3A : memref<!tpu.dma_semaphore, #tpu.memory_space<semaphore_mem>>) src(%arg4 : memref<200x64xf32, #tpu.memory_space<hbm>>) dst(%arg7 : memref<200x64xf32, #tpu.memory_space<vmem>>)
      tpu.yield
    }) : () -> ()
    %dma_start3A = arith.constant 0 : i32
    %dma_start3A_3 = arith.constant 0 : i32
    %dma_start3A_4 = arith.constant 0 : i32
    %dma_start3A_5 = tpu.memref_slice %arg8[%dma_start3A, %dma_start3A_3, %dma_start3A_4] : memref<2x200x128xf32, #tpu.memory_space<vmem>> -> memref<1x200x128xf32, #tpu.memory_space<vmem>>
    %dma_start3A_6 = tpu.memref_squeeze %dma_start3A_5 : memref<1x200x128xf32, #tpu.memory_space<vmem>> -> memref<200x128xf32, #tpu.memory_space<vmem>>
    %dma_start3A_7 = arith.constant 0 : i32
    %dma_start3A_8 = tpu.memref_slice %arg6[%dma_start3A_7] : memref<6400xi32, #tpu.memory_space<vmem>> -> memref<200xi32, #tpu.memory_space<vmem>>
    %dma_start3A_9 = arith.constant 0 : i32
    %dma_start3A_10 = arith.constant 0 : i32
    %dma_start3A_11 = tpu.memref_slice %arg2[%dma_start3A_9, %dma_start3A_10] : memref<1000000x128xf32, #tpu.memory_space<hbm>> -> memref<1000000x128xf32, #tpu.memory_space<hbm>>
    tpu.enqueue_indirect_dma source(%dma_start3A_11 : memref<1000000x128xf32, #tpu.memory_space<hbm>>) target(%dma_start3A_6 : memref<200x128xf32, #tpu.memory_space<vmem>>) offsets(%dma_start3A_8 : memref<200xi32, #tpu.memory_space<vmem>>) semaphore(%arg10 : memref<!tpu.dma_semaphore, #tpu.memory_space<semaphore_mem>>)
    %dma_start3A_12 = arith.constant 1 : i32
    %dma_start3A_13 = arith.constant 0 : i32
    %dma_start3A_14 = arith.constant 0 : i32
    %dma_start3A_15 = tpu.memref_slice %arg8[%dma_start3A_12, %dma_start3A_13, %dma_start3A_14] : memref<2x200x128xf32, #tpu.memory_space<vmem>> -> memref<1x200x128xf32, #tpu.memory_space<vmem>>
    %dma_start3A_16 = tpu.memref_squeeze %dma_start3A_15 : memref<1x200x128xf32, #tpu.memory_space<vmem>> -> memref<200x128xf32, #tpu.memory_space<vmem>>
    %dma_start3A_17 = arith.constant 200 : i32
    %dma_start3A_18 = tpu.memref_slice %arg6[%dma_start3A_17] : memref<6400xi32, #tpu.memory_space<vmem>> -> memref<200xi32, #tpu.memory_space<vmem>>
    %dma_start3A_19 = arith.constant 0 : i32
    %dma_start3A_20 = arith.constant 0 : i32
    %dma_start3A_21 = tpu.memref_slice %arg2[%dma_start3A_19, %dma_start3A_20] : memref<1000000x128xf32, #tpu.memory_space<hbm>> -> memref<1000000x128xf32, #tpu.memory_space<hbm>>
    tpu.enqueue_indirect_dma source(%dma_start3A_21 : memref<1000000x128xf32, #tpu.memory_space<hbm>>) target(%dma_start3A_16 : memref<200x128xf32, #tpu.memory_space<vmem>>) offsets(%dma_start3A_18 : memref<200xi32, #tpu.memory_space<vmem>>) semaphore(%arg11 : memref<!tpu.dma_semaphore, #tpu.memory_space<semaphore_mem>>)
    %scan3A = arith.constant 0 : i32
    %scan3A_22 = arith.constant 0 : i32
    %scan3A_23 = arith.constant 15 : i32
    %scan3A_24 = arith.addi %scan3A_22, %scan3A_23 : i32
    %scan3A_25 = arith.constant 1 : i32
    %scan3A_26 = scf.for %scan3A_67 = %scan3A_22 to %scan3A_24 step %scan3A_25 iter_args(%scan3A_68 = %scan3A) -> (i32)  : i32 {
      %mul3A_69 = arith.constant 2 : i32
      %mul3A_70 = arith.muli %mul3A_69, %scan3A_67 : i32
      %mul3A_71 = arith.constant 200 : i32
      %mul3A_72 = arith.muli %mul3A_70, %mul3A_71 : i32
      %dma_wait3A_73 = arith.constant 0 : i32
      %dma_wait3A_74 = arith.constant 0 : i32
      %dma_wait3A_75 = arith.constant 0 : i32
      %dma_wait3A_76 = tpu.memref_slice %arg8[%dma_wait3A_73, %dma_wait3A_74, %dma_wait3A_75] : memref<2x200x128xf32, #tpu.memory_space<vmem>> -> memref<1x200x128xf32, #tpu.memory_space<vmem>>
      %dma_wait3A_77 = tpu.memref_squeeze %dma_wait3A_76 : memref<1x200x128xf32, #tpu.memory_space<vmem>> -> memref<200x128xf32, #tpu.memory_space<vmem>>
      %dma_wait3A_78 = tpu.memref_slice %arg6[%mul3A_72] : memref<6400xi32, #tpu.memory_space<vmem>> -> memref<200xi32, #tpu.memory_space<vmem>>
      %dma_wait3A_79 = arith.constant 0 : i32
      %dma_wait3A_80 = arith.constant 0 : i32
      %dma_wait3A_81 = tpu.memref_slice %arg2[%dma_wait3A_79, %dma_wait3A_80] : memref<1000000x128xf32, #tpu.memory_space<hbm>> -> memref<1000000x128xf32, #tpu.memory_space<hbm>>
      tpu.wait_indirect_dma semaphore(%arg10 : memref<!tpu.dma_semaphore, #tpu.memory_space<semaphore_mem>>) src(%dma_wait3A_81 : memref<1000000x128xf32, #tpu.memory_space<hbm>>) dst(%dma_wait3A_77 : memref<200x128xf32, #tpu.memory_space<vmem>>)
      %scan3A_82 = arith.constant 0 : i32
      %scan3A_83 = arith.constant 0 : i32
      %scan3A_84 = arith.constant 0 : i32
      %scan3A_85 = arith.constant 200 : i32
      %scan3A_86 = arith.addi %scan3A_84, %scan3A_85 : i32
      %scan3A_87 = arith.constant 1 : i32
      %scan3A_88 = scf.for %scan3A_144 = %scan3A_84 to %scan3A_86 step %scan3A_87 iter_args(%scan3A_145 = %scan3A_83) -> (i32)  : i32 {
        %get3A = arith.constant 0 : i32
        %get3A_146 = arith.constant 0 : i32
        %get3A_147 = tpu.memref_slice %arg8[%scan3A_82, %get3A, %get3A_146] : memref<2x200x128xf32, #tpu.memory_space<vmem>> -> memref<1x200x128xf32, #tpu.memory_space<vmem>>
        %get3A_148 = tpu.memref_squeeze %get3A_147 : memref<1x200x128xf32, #tpu.memory_space<vmem>> -> memref<200x128xf32, #tpu.memory_space<vmem>>
        %get3A_149 = arith.index_cast %scan3A_144 : i32 to index
        %get3A_150 = arith.constant 0 : index
        %get3A_151 = tpu.vector_load %get3A_148[%get3A_149, %get3A_150] {strides = array<i32>} : memref<200x128xf32, #tpu.memory_space<vmem>>, vector<1x16xf32>,
        %get3A_152 = vector.shape_cast %get3A_151 : vector<1x16xf32> to vector<16xf32>
        %get3A_153 = arith.index_cast %scan3A_144 : i32 to index
        %get3A_154 = arith.constant 0 : index
        %get3A_155 = tpu.vector_load %arg7[%get3A_153, %get3A_154] {strides = array<i32>} : memref<200x64xf32, #tpu.memory_space<vmem>>, vector<1x16xf32>,
        %get3A_156 = vector.shape_cast %get3A_155 : vector<1x16xf32> to vector<16xf32>
        %add3A_157 = arith.addf %get3A_152, %get3A_156 : vector<16xf32>
        %swap3A = arith.index_cast %scan3A_144 : i32 to index
        %swap3A_158 = arith.constant 0 : index
        %swap3A_159 = tpu.vector_load %arg9[%swap3A, %swap3A_158] {strides = array<i32>} : memref<200x64xf32, #tpu.memory_space<vmem>>, vector<1x16xf32>,
        %swap3A_160 = vector.shape_cast %swap3A_159 : vector<1x16xf32> to vector<16xf32>
        %swap3A_161 = vector.shape_cast %add3A_157 : vector<16xf32> to vector<1x16xf32>
        tpu.vector_store %arg9[%swap3A, %swap3A_158], %swap3A_161 {strides = array<i32>} : memref<200x64xf32, #tpu.memory_space<vmem>>, vector<1x16xf32>,
        %get3A_162 = arith.constant 0 : i32
        %get3A_163 = arith.constant 0 : i32
        %get3A_164 = tpu.memref_slice %arg8[%scan3A_82, %get3A_162, %get3A_163] : memref<2x200x128xf32, #tpu.memory_space<vmem>> -> memref<1x200x128xf32, #tpu.memory_space<vmem>>
        %get3A_165 = tpu.memref_squeeze %get3A_164 : memref<1x200x128xf32, #tpu.memory_space<vmem>> -> memref<200x128xf32, #tpu.memory_space<vmem>>
        %get3A_166 = arith.index_cast %scan3A_144 : i32 to index
        %get3A_167 = arith.constant 16 : index
        %get3A_168 = tpu.vector_load %get3A_165[%get3A_166, %get3A_167] {strides = array<i32>} : memref<200x128xf32, #tpu.memory_space<vmem>>, vector<1x16xf32>,
        %get3A_169 = vector.shape_cast %get3A_168 : vector<1x16xf32> to vector<16xf32>
        %get3A_170 = arith.index_cast %scan3A_144 : i32 to index
        %get3A_171 = arith.constant 16 : index
        %get3A_172 = tpu.vector_load %arg7[%get3A_170, %get3A_171] {strides = array<i32>} : memref<200x64xf32, #tpu.memory_space<vmem>>, vector<1x16xf32>,
        %get3A_173 = vector.shape_cast %get3A_172 : vector<1x16xf32> to vector<16xf32>
        %add3A_174 = arith.addf %get3A_169, %get3A_173 : vector<16xf32>
        %swap3A_175 = arith.index_cast %scan3A_144 : i32 to index
        %swap3A_176 = arith.constant 16 : index
        %swap3A_177 = tpu.vector_load %arg9[%swap3A_175, %swap3A_176] {strides = array<i32>} : memref<200x64xf32, #tpu.memory_space<vmem>>, vector<1x16xf32>,
        %swap3A_178 = vector.shape_cast %swap3A_177 : vector<1x16xf32> to vector<16xf32>
        %swap3A_179 = vector.shape_cast %add3A_174 : vector<16xf32> to vector<1x16xf32>
        tpu.vector_store %arg9[%swap3A_175, %swap3A_176], %swap3A_179 {strides = array<i32>} : memref<200x64xf32, #tpu.memory_space<vmem>>, vector<1x16xf32>,
        %get3A_180 = arith.constant 0 : i32
        %get3A_181 = arith.constant 0 : i32
        %get3A_182 = tpu.memref_slice %arg8[%scan3A_82, %get3A_180, %get3A_181] : memref<2x200x128xf32, #tpu.memory_space<vmem>> -> memref<1x200x128xf32, #tpu.memory_space<vmem>>
        %get3A_183 = tpu.memref_squeeze %get3A_182 : memref<1x200x128xf32, #tpu.memory_space<vmem>> -> memref<200x128xf32, #tpu.memory_space<vmem>>
        %get3A_184 = arith.index_cast %scan3A_144 : i32 to index
        %get3A_185 = arith.constant 32 : index
        %get3A_186 = tpu.vector_load %get3A_183[%get3A_184, %get3A_185] {strides = array<i32>} : memref<200x128xf32, #tpu.memory_space<vmem>>, vector<1x16xf32>,
        %get3A_187 = vector.shape_cast %get3A_186 : vector<1x16xf32> to vector<16xf32>
        %get3A_188 = arith.index_cast %scan3A_144 : i32 to index
        %get3A_189 = arith.constant 32 : index
        %get3A_190 = tpu.vector_load %arg7[%get3A_188, %get3A_189] {strides = array<i32>} : memref<200x64xf32, #tpu.memory_space<vmem>>, vector<1x16xf32>,
        %get3A_191 = vector.shape_cast %get3A_190 : vector<1x16xf32> to vector<16xf32>
        %add3A_192 = arith.addf %get3A_187, %get3A_191 : vector<16xf32>
        %swap3A_193 = arith.index_cast %scan3A_144 : i32 to index
        %swap3A_194 = arith.constant 32 : index
        %swap3A_195 = tpu.vector_load %arg9[%swap3A_193, %swap3A_194] {strides = array<i32>} : memref<200x64xf32, #tpu.memory_space<vmem>>, vector<1x16xf32>,
        %swap3A_196 = vector.shape_cast %swap3A_195 : vector<1x16xf32> to vector<16xf32>
        %swap3A_197 = vector.shape_cast %add3A_192 : vector<16xf32> to vector<1x16xf32>
        tpu.vector_store %arg9[%swap3A_193, %swap3A_194], %swap3A_197 {strides = array<i32>} : memref<200x64xf32, #tpu.memory_space<vmem>>, vector<1x16xf32>,
        %get3A_198 = arith.constant 0 : i32
        %get3A_199 = arith.constant 0 : i32
        %get3A_200 = tpu.memref_slice %arg8[%scan3A_82, %get3A_198, %get3A_199] : memref<2x200x128xf32, #tpu.memory_space<vmem>> -> memref<1x200x128xf32, #tpu.memory_space<vmem>>
        %get3A_201 = tpu.memref_squeeze %get3A_200 : memref<1x200x128xf32, #tpu.memory_space<vmem>> -> memref<200x128xf32, #tpu.memory_space<vmem>>
        %get3A_202 = arith.index_cast %scan3A_144 : i32 to index
        %get3A_203 = arith.constant 48 : index
        %get3A_204 = tpu.vector_load %get3A_201[%get3A_202, %get3A_203] {strides = array<i32>} : memref<200x128xf32, #tpu.memory_space<vmem>>, vector<1x16xf32>,
        %get3A_205 = vector.shape_cast %get3A_204 : vector<1x16xf32> to vector<16xf32>
        %get3A_206 = arith.index_cast %scan3A_144 : i32 to index
        %get3A_207 = arith.constant 48 : index
        %get3A_208 = tpu.vector_load %arg7[%get3A_206, %get3A_207] {strides = array<i32>} : memref<200x64xf32, #tpu.memory_space<vmem>>, vector<1x16xf32>,
        %get3A_209 = vector.shape_cast %get3A_208 : vector<1x16xf32> to vector<16xf32>
        %add3A_210 = arith.addf %get3A_205, %get3A_209 : vector<16xf32>
        %swap3A_211 = arith.index_cast %scan3A_144 : i32 to index
        %swap3A_212 = arith.constant 48 : index
        %swap3A_213 = tpu.vector_load %arg9[%swap3A_211, %swap3A_212] {strides = array<i32>} : memref<200x64xf32, #tpu.memory_space<vmem>>, vector<1x16xf32>,
        %swap3A_214 = vector.shape_cast %swap3A_213 : vector<1x16xf32> to vector<16xf32>
        %swap3A_215 = vector.shape_cast %add3A_210 : vector<16xf32> to vector<1x16xf32>
        tpu.vector_store %arg9[%swap3A_211, %swap3A_212], %swap3A_215 {strides = array<i32>} : memref<200x64xf32, #tpu.memory_space<vmem>>, vector<1x16xf32>,
        %scan3A_216 = arith.constant 0 : i32
        scf.yield %scan3A_216 : i32
      }
      %scan3A_89 = arith.constant 200 : i32
      %mul3A_90 = arith.constant 200 : i32
      %mul3A_91 = arith.muli %mul3A_70, %mul3A_90 : i32
      %add3A_92 = arith.addi %mul3A_2, %mul3A_91 : i32
      "tpu.region"() ({
        %run_scoped3A = tpu.sem_alloc : memref<!tpu.dma_semaphore, #tpu.memory_space<semaphore_mem>>
        %dma_start3A_144 = arith.constant 0 : i32
        %dma_start3A_145 = tpu.memref_slice %arg5[%add3A_92, %dma_start3A_144] : memref<204800x64xf32, #tpu.memory_space<hbm>> -> memref<200x64xf32, #tpu.memory_space<hbm>>
        %dma_start3A_146 = arith.constant 0 : i32
        %dma_start3A_147 = tpu.memref_slice %arg5[%add3A_92, %dma_start3A_146] : memref<204800x64xf32, #tpu.memory_space<hbm>> -> memref<200x64xf32, #tpu.memory_space<hbm>>
        tpu.enqueue_dma source(%arg9 : memref<200x64xf32, #tpu.memory_space<vmem>>) target(%dma_start3A_147 : memref<200x64xf32, #tpu.memory_space<hbm>>) target_semaphore(%run_scoped3A : memref<!tpu.dma_semaphore, #tpu.memory_space<semaphore_mem>>)
        %dma_wait3A_148 = arith.constant 0 : i32
        %dma_wait3A_149 = tpu.memref_slice %arg5[%add3A_92, %dma_wait3A_148] : memref<204800x64xf32, #tpu.memory_space<hbm>> -> memref<200x64xf32, #tpu.memory_space<hbm>>
        %dma_wait3A_150 = arith.constant 0 : i32
        %dma_wait3A_151 = tpu.memref_slice %arg5[%add3A_92, %dma_wait3A_150] : memref<204800x64xf32, #tpu.memory_space<hbm>> -> memref<200x64xf32, #tpu.memory_space<hbm>>
        tpu.wait_dma2 semaphore(%run_scoped3A : memref<!tpu.dma_semaphore, #tpu.memory_space<semaphore_mem>>) src(%arg9 : memref<200x64xf32, #tpu.memory_space<vmem>>) dst(%dma_wait3A_151 : memref<200x64xf32, #tpu.memory_space<hbm>>)
        tpu.yield
      }) : () -> ()
      %add3A_93 = arith.constant 2 : i32
      %add3A_94 = arith.addi %mul3A_70, %add3A_93 : i32
      %mul3A_95 = arith.constant 200 : i32
      %mul3A_96 = arith.muli %add3A_94, %mul3A_95 : i32
      %dma_start3A_97 = arith.constant 0 : i32
      %dma_start3A_98 = arith.constant 0 : i32
      %dma_start3A_99 = arith.constant 0 : i32
      %dma_start3A_100 = tpu.memref_slice %arg8[%dma_start3A_97, %dma_start3A_98, %dma_start3A_99] : memref<2x200x128xf32, #tpu.memory_space<vmem>> -> memref<1x200x128xf32, #tpu.memory_space<vmem>>
      %dma_start3A_101 = tpu.memref_squeeze %dma_start3A_100 : memref<1x200x128xf32, #tpu.memory_space<vmem>> -> memref<200x128xf32, #tpu.memory_space<vmem>>
      %dma_start3A_102 = tpu.memref_slice %arg6[%mul3A_96] : memref<6400xi32, #tpu.memory_space<vmem>> -> memref<200xi32, #tpu.memory_space<vmem>>
      %dma_start3A_103 = arith.constant 0 : i32
      %dma_start3A_104 = arith.constant 0 : i32
      %dma_start3A_105 = tpu.memref_slice %arg2[%dma_start3A_103, %dma_start3A_104] : memref<1000000x128xf32, #tpu.memory_space<hbm>> -> memref<1000000x128xf32, #tpu.memory_space<hbm>>
      tpu.enqueue_indirect_dma source(%dma_start3A_105 : memref<1000000x128xf32, #tpu.memory_space<hbm>>) target(%dma_start3A_101 : memref<200x128xf32, #tpu.memory_space<vmem>>) offsets(%dma_start3A_102 : memref<200xi32, #tpu.memory_space<vmem>>) semaphore(%arg10 : memref<!tpu.dma_semaphore, #tpu.memory_space<semaphore_mem>>)
      %add3A_106 = arith.constant 1 : i32
      %add3A_107 = arith.addi %mul3A_70, %add3A_106 : i32
      %mul3A_108 = arith.constant 200 : i32
      %mul3A_109 = arith.muli %add3A_107, %mul3A_108 : i32
      %dma_wait3A_110 = arith.constant 1 : i32
      %dma_wait3A_111 = arith.constant 0 : i32
      %dma_wait3A_112 = arith.constant 0 : i32
      %dma_wait3A_113 = tpu.memref_slice %arg8[%dma_wait3A_110, %dma_wait3A_111, %dma_wait3A_112] : memref<2x200x128xf32, #tpu.memory_space<vmem>> -> memref<1x200x128xf32, #tpu.memory_space<vmem>>
      %dma_wait3A_114 = tpu.memref_squeeze %dma_wait3A_113 : memref<1x200x128xf32, #tpu.memory_space<vmem>> -> memref<200x128xf32, #tpu.memory_space<vmem>>
      %dma_wait3A_115 = tpu.memref_slice %arg6[%mul3A_109] : memref<6400xi32, #tpu.memory_space<vmem>> -> memref<200xi32, #tpu.memory_space<vmem>>
      %dma_wait3A_116 = arith.constant 0 : i32
      %dma_wait3A_117 = arith.constant 0 : i32
      %dma_wait3A_118 = tpu.memref_slice %arg2[%dma_wait3A_116, %dma_wait3A_117] : memref<1000000x128xf32, #tpu.memory_space<hbm>> -> memref<1000000x128xf32, #tpu.memory_space<hbm>>
      tpu.wait_indirect_dma semaphore(%arg11 : memref<!tpu.dma_semaphore, #tpu.memory_space<semaphore_mem>>) src(%dma_wait3A_118 : memref<1000000x128xf32, #tpu.memory_space<hbm>>) dst(%dma_wait3A_114 : memref<200x128xf32, #tpu.memory_space<vmem>>)
      %scan3A_119 = arith.constant 1 : i32
      %scan3A_120 = arith.constant 0 : i32
      %scan3A_121 = arith.constant 0 : i32
      %scan3A_122 = arith.constant 200 : i32
      %scan3A_123 = arith.addi %scan3A_121, %scan3A_122 : i32
      %scan3A_124 = arith.constant 1 : i32
      %scan3A_125 = scf.for %scan3A_144 = %scan3A_121 to %scan3A_123 step %scan3A_124 iter_args(%scan3A_145 = %scan3A_120) -> (i32)  : i32 {
        %get3A = arith.constant 0 : i32
        %get3A_146 = arith.constant 0 : i32
        %get3A_147 = tpu.memref_slice %arg8[%scan3A_119, %get3A, %get3A_146] : memref<2x200x128xf32, #tpu.memory_space<vmem>> -> memref<1x200x128xf32, #tpu.memory_space<vmem>>
        %get3A_148 = tpu.memref_squeeze %get3A_147 : memref<1x200x128xf32, #tpu.memory_space<vmem>> -> memref<200x128xf32, #tpu.memory_space<vmem>>
        %get3A_149 = arith.index_cast %scan3A_144 : i32 to index
        %get3A_150 = arith.constant 0 : index
        %get3A_151 = tpu.vector_load %get3A_148[%get3A_149, %get3A_150] {strides = array<i32>} : memref<200x128xf32, #tpu.memory_space<vmem>>, vector<1x16xf32>,
        %get3A_152 = vector.shape_cast %get3A_151 : vector<1x16xf32> to vector<16xf32>
        %get3A_153 = arith.index_cast %scan3A_144 : i32 to index
        %get3A_154 = arith.constant 0 : index
        %get3A_155 = tpu.vector_load %arg7[%get3A_153, %get3A_154] {strides = array<i32>} : memref<200x64xf32, #tpu.memory_space<vmem>>, vector<1x16xf32>,
        %get3A_156 = vector.shape_cast %get3A_155 : vector<1x16xf32> to vector<16xf32>
        %add3A_157 = arith.addf %get3A_152, %get3A_156 : vector<16xf32>
        %swap3A = arith.index_cast %scan3A_144 : i32 to index
        %swap3A_158 = arith.constant 0 : index
        %swap3A_159 = tpu.vector_load %arg9[%swap3A, %swap3A_158] {strides = array<i32>} : memref<200x64xf32, #tpu.memory_space<vmem>>, vector<1x16xf32>,
        %swap3A_160 = vector.shape_cast %swap3A_159 : vector<1x16xf32> to vector<16xf32>
        %swap3A_161 = vector.shape_cast %add3A_157 : vector<16xf32> to vector<1x16xf32>
        tpu.vector_store %arg9[%swap3A, %swap3A_158], %swap3A_161 {strides = array<i32>} : memref<200x64xf32, #tpu.memory_space<vmem>>, vector<1x16xf32>,
        %get3A_162 = arith.constant 0 : i32
        %get3A_163 = arith.constant 0 : i32
        %get3A_164 = tpu.memref_slice %arg8[%scan3A_119, %get3A_162, %get3A_163] : memref<2x200x128xf32, #tpu.memory_space<vmem>> -> memref<1x200x128xf32, #tpu.memory_space<vmem>>
        %get3A_165 = tpu.memref_squeeze %get3A_164 : memref<1x200x128xf32, #tpu.memory_space<vmem>> -> memref<200x128xf32, #tpu.memory_space<vmem>>
        %get3A_166 = arith.index_cast %scan3A_144 : i32 to index
        %get3A_167 = arith.constant 16 : index
        %get3A_168 = tpu.vector_load %get3A_165[%get3A_166, %get3A_167] {strides = array<i32>} : memref<200x128xf32, #tpu.memory_space<vmem>>, vector<1x16xf32>,
        %get3A_169 = vector.shape_cast %get3A_168 : vector<1x16xf32> to vector<16xf32>
        %get3A_170 = arith.index_cast %scan3A_144 : i32 to index
        %get3A_171 = arith.constant 16 : index
        %get3A_172 = tpu.vector_load %arg7[%get3A_170, %get3A_171] {strides = array<i32>} : memref<200x64xf32, #tpu.memory_space<vmem>>, vector<1x16xf32>,
        %get3A_173 = vector.shape_cast %get3A_172 : vector<1x16xf32> to vector<16xf32>
        %add3A_174 = arith.addf %get3A_169, %get3A_173 : vector<16xf32>
        %swap3A_175 = arith.index_cast %scan3A_144 : i32 to index
        %swap3A_176 = arith.constant 16 : index
        %swap3A_177 = tpu.vector_load %arg9[%swap3A_175, %swap3A_176] {strides = array<i32>} : memref<200x64xf32, #tpu.memory_space<vmem>>, vector<1x16xf32>,
        %swap3A_178 = vector.shape_cast %swap3A_177 : vector<1x16xf32> to vector<16xf32>
        %swap3A_179 = vector.shape_cast %add3A_174 : vector<16xf32> to vector<1x16xf32>
        tpu.vector_store %arg9[%swap3A_175, %swap3A_176], %swap3A_179 {strides = array<i32>} : memref<200x64xf32, #tpu.memory_space<vmem>>, vector<1x16xf32>,
        %get3A_180 = arith.constant 0 : i32
        %get3A_181 = arith.constant 0 : i32
        %get3A_182 = tpu.memref_slice %arg8[%scan3A_119, %get3A_180, %get3A_181] : memref<2x200x128xf32, #tpu.memory_space<vmem>> -> memref<1x200x128xf32, #tpu.memory_space<vmem>>
        %get3A_183 = tpu.memref_squeeze %get3A_182 : memref<1x200x128xf32, #tpu.memory_space<vmem>> -> memref<200x128xf32, #tpu.memory_space<vmem>>
        %get3A_184 = arith.index_cast %scan3A_144 : i32 to index
        %get3A_185 = arith.constant 32 : index
        %get3A_186 = tpu.vector_load %get3A_183[%get3A_184, %get3A_185] {strides = array<i32>} : memref<200x128xf32, #tpu.memory_space<vmem>>, vector<1x16xf32>,
        %get3A_187 = vector.shape_cast %get3A_186 : vector<1x16xf32> to vector<16xf32>
        %get3A_188 = arith.index_cast %scan3A_144 : i32 to index
        %get3A_189 = arith.constant 32 : index
        %get3A_190 = tpu.vector_load %arg7[%get3A_188, %get3A_189] {strides = array<i32>} : memref<200x64xf32, #tpu.memory_space<vmem>>, vector<1x16xf32>,
        %get3A_191 = vector.shape_cast %get3A_190 : vector<1x16xf32> to vector<16xf32>
        %add3A_192 = arith.addf %get3A_187, %get3A_191 : vector<16xf32>
        %swap3A_193 = arith.index_cast %scan3A_144 : i32 to index
        %swap3A_194 = arith.constant 32 : index
        %swap3A_195 = tpu.vector_load %arg9[%swap3A_193, %swap3A_194] {strides = array<i32>} : memref<200x64xf32, #tpu.memory_space<vmem>>, vector<1x16xf32>,
        %swap3A_196 = vector.shape_cast %swap3A_195 : vector<1x16xf32> to vector<16xf32>
        %swap3A_197 = vector.shape_cast %add3A_192 : vector<16xf32> to vector<1x16xf32>
        tpu.vector_store %arg9[%swap3A_193, %swap3A_194], %swap3A_197 {strides = array<i32>} : memref<200x64xf32, #tpu.memory_space<vmem>>, vector<1x16xf32>,
        %get3A_198 = arith.constant 0 : i32
        %get3A_199 = arith.constant 0 : i32
        %get3A_200 = tpu.memref_slice %arg8[%scan3A_119, %get3A_198, %get3A_199] : memref<2x200x128xf32, #tpu.memory_space<vmem>> -> memref<1x200x128xf32, #tpu.memory_space<vmem>>
        %get3A_201 = tpu.memref_squeeze %get3A_200 : memref<1x200x128xf32, #tpu.memory_space<vmem>> -> memref<200x128xf32, #tpu.memory_space<vmem>>
        %get3A_202 = arith.index_cast %scan3A_144 : i32 to index
        %get3A_203 = arith.constant 48 : index
        %get3A_204 = tpu.vector_load %get3A_201[%get3A_202, %get3A_203] {strides = array<i32>} : memref<200x128xf32, #tpu.memory_space<vmem>>, vector<1x16xf32>,
        %get3A_205 = vector.shape_cast %get3A_204 : vector<1x16xf32> to vector<16xf32>
        %get3A_206 = arith.index_cast %scan3A_144 : i32 to index
        %get3A_207 = arith.constant 48 : index
        %get3A_208 = tpu.vector_load %arg7[%get3A_206, %get3A_207] {strides = array<i32>} : memref<200x64xf32, #tpu.memory_space<vmem>>, vector<1x16xf32>,
        %get3A_209 = vector.shape_cast %get3A_208 : vector<1x16xf32> to vector<16xf32>
        %add3A_210 = arith.addf %get3A_205, %get3A_209 : vector<16xf32>
        %swap3A_211 = arith.index_cast %scan3A_144 : i32 to index
        %swap3A_212 = arith.constant 48 : index
        %swap3A_213 = tpu.vector_load %arg9[%swap3A_211, %swap3A_212] {strides = array<i32>} : memref<200x64xf32, #tpu.memory_space<vmem>>, vector<1x16xf32>,
        %swap3A_214 = vector.shape_cast %swap3A_213 : vector<1x16xf32> to vector<16xf32>
        %swap3A_215 = vector.shape_cast %add3A_210 : vector<16xf32> to vector<1x16xf32>
        tpu.vector_store %arg9[%swap3A_211, %swap3A_212], %swap3A_215 {strides = array<i32>} : memref<200x64xf32, #tpu.memory_space<vmem>>, vector<1x16xf32>,
        %scan3A_216 = arith.constant 0 : i32
        scf.yield %scan3A_216 : i32
      }
      %scan3A_126 = arith.constant 200 : i32
      %mul3A_127 = arith.constant 200 : i32
      %mul3A_128 = arith.muli %add3A_107, %mul3A_127 : i32
      %add3A_129 = arith.addi %mul3A_2, %mul3A_128 : i32
      "tpu.region"() ({
        %run_scoped3A = tpu.sem_alloc : memref<!tpu.dma_semaphore, #tpu.memory_space<semaphore_mem>>
        %dma_start3A_144 = arith.constant 0 : i32
        %dma_start3A_145 = tpu.memref_slice %arg5[%add3A_129, %dma_start3A_144] : memref<204800x64xf32, #tpu.memory_space<hbm>> -> memref<200x64xf32, #tpu.memory_space<hbm>>
        %dma_start3A_146 = arith.constant 0 : i32
        %dma_start3A_147 = tpu.memref_slice %arg5[%add3A_129, %dma_start3A_146] : memref<204800x64xf32, #tpu.memory_space<hbm>> -> memref<200x64xf32, #tpu.memory_space<hbm>>
        tpu.enqueue_dma source(%arg9 : memref<200x64xf32, #tpu.memory_space<vmem>>) target(%dma_start3A_147 : memref<200x64xf32, #tpu.memory_space<hbm>>) target_semaphore(%run_scoped3A : memref<!tpu.dma_semaphore, #tpu.memory_space<semaphore_mem>>)
        %dma_wait3A_148 = arith.constant 0 : i32
        %dma_wait3A_149 = tpu.memref_slice %arg5[%add3A_129, %dma_wait3A_148] : memref<204800x64xf32, #tpu.memory_space<hbm>> -> memref<200x64xf32, #tpu.memory_space<hbm>>
        %dma_wait3A_150 = arith.constant 0 : i32
        %dma_wait3A_151 = tpu.memref_slice %arg5[%add3A_129, %dma_wait3A_150] : memref<204800x64xf32, #tpu.memory_space<hbm>> -> memref<200x64xf32, #tpu.memory_space<hbm>>
        tpu.wait_dma2 semaphore(%run_scoped3A : memref<!tpu.dma_semaphore, #tpu.memory_space<semaphore_mem>>) src(%arg9 : memref<200x64xf32, #tpu.memory_space<vmem>>) dst(%dma_wait3A_151 : memref<200x64xf32, #tpu.memory_space<hbm>>)
        tpu.yield
      }) : () -> ()
      %add3A_130 = arith.constant 3 : i32
      %add3A_131 = arith.addi %mul3A_70, %add3A_130 : i32
      %mul3A_132 = arith.constant 200 : i32
      %mul3A_133 = arith.muli %add3A_131, %mul3A_132 : i32
      %dma_start3A_134 = arith.constant 1 : i32
      %dma_start3A_135 = arith.constant 0 : i32
      %dma_start3A_136 = arith.constant 0 : i32
      %dma_start3A_137 = tpu.memref_slice %arg8[%dma_start3A_134, %dma_start3A_135, %dma_start3A_136] : memref<2x200x128xf32, #tpu.memory_space<vmem>> -> memref<1x200x128xf32, #tpu.memory_space<vmem>>
      %dma_start3A_138 = tpu.memref_squeeze %dma_start3A_137 : memref<1x200x128xf32, #tpu.memory_space<vmem>> -> memref<200x128xf32, #tpu.memory_space<vmem>>
      %dma_start3A_139 = tpu.memref_slice %arg6[%mul3A_133] : memref<6400xi32, #tpu.memory_space<vmem>> -> memref<200xi32, #tpu.memory_space<vmem>>
      %dma_start3A_140 = arith.constant 0 : i32
      %dma_start3A_141 = arith.constant 0 : i32
      %dma_start3A_142 = tpu.memref_slice %arg2[%dma_start3A_140, %dma_start3A_141] : memref<1000000x128xf32, #tpu.memory_space<hbm>> -> memref<1000000x128xf32, #tpu.memory_space<hbm>>
      tpu.enqueue_indirect_dma source(%dma_start3A_142 : memref<1000000x128xf32, #tpu.memory_space<hbm>>) target(%dma_start3A_138 : memref<200x128xf32, #tpu.memory_space<vmem>>) offsets(%dma_start3A_139 : memref<200xi32, #tpu.memory_space<vmem>>) semaphore(%arg11 : memref<!tpu.dma_semaphore, #tpu.memory_space<semaphore_mem>>)
      %scan3A_143 = arith.constant 0 : i32
      scf.yield %scan3A_143 : i32
    }
    %scan3A_27 = arith.constant 15 : i32
    %dma_wait3A = arith.constant 0 : i32
    %dma_wait3A_28 = arith.constant 0 : i32
    %dma_wait3A_29 = arith.constant 0 : i32
    %dma_wait3A_30 = tpu.memref_slice %arg8[%dma_wait3A, %dma_wait3A_28, %dma_wait3A_29] : memref<2x200x128xf32, #tpu.memory_space<vmem>> -> memref<1x200x128xf32, #tpu.memory_space<vmem>>
    %dma_wait3A_31 = tpu.memref_squeeze %dma_wait3A_30 : memref<1x200x128xf32, #tpu.memory_space<vmem>> -> memref<200x128xf32, #tpu.memory_space<vmem>>
    %dma_wait3A_32 = arith.constant 6000 : i32
    %dma_wait3A_33 = tpu.memref_slice %arg6[%dma_wait3A_32] : memref<6400xi32, #tpu.memory_space<vmem>> -> memref<200xi32, #tpu.memory_space<vmem>>
    %dma_wait3A_34 = arith.constant 0 : i32
    %dma_wait3A_35 = arith.constant 0 : i32
    %dma_wait3A_36 = tpu.memref_slice %arg2[%dma_wait3A_34, %dma_wait3A_35] : memref<1000000x128xf32, #tpu.memory_space<hbm>> -> memref<1000000x128xf32, #tpu.memory_space<hbm>>
    tpu.wait_indirect_dma semaphore(%arg10 : memref<!tpu.dma_semaphore, #tpu.memory_space<semaphore_mem>>) src(%dma_wait3A_36 : memref<1000000x128xf32, #tpu.memory_space<hbm>>) dst(%dma_wait3A_31 : memref<200x128xf32, #tpu.memory_space<vmem>>)
    %scan3A_37 = arith.constant 0 : i32
    %scan3A_38 = arith.constant 0 : i32
    %scan3A_39 = arith.constant 0 : i32
    %scan3A_40 = arith.constant 200 : i32
    %scan3A_41 = arith.addi %scan3A_39, %scan3A_40 : i32
    %scan3A_42 = arith.constant 1 : i32
    %scan3A_43 = scf.for %scan3A_67 = %scan3A_39 to %scan3A_41 step %scan3A_42 iter_args(%scan3A_68 = %scan3A_38) -> (i32)  : i32 {
      %get3A = arith.constant 0 : i32
      %get3A_69 = arith.constant 0 : i32
      %get3A_70 = tpu.memref_slice %arg8[%scan3A_37, %get3A, %get3A_69] : memref<2x200x128xf32, #tpu.memory_space<vmem>> -> memref<1x200x128xf32, #tpu.memory_space<vmem>>
      %get3A_71 = tpu.memref_squeeze %get3A_70 : memref<1x200x128xf32, #tpu.memory_space<vmem>> -> memref<200x128xf32, #tpu.memory_space<vmem>>
      %get3A_72 = arith.index_cast %scan3A_67 : i32 to index
      %get3A_73 = arith.constant 0 : index
      %get3A_74 = tpu.vector_load %get3A_71[%get3A_72, %get3A_73] {strides = array<i32>} : memref<200x128xf32, #tpu.memory_space<vmem>>, vector<1x16xf32>,
      %get3A_75 = vector.shape_cast %get3A_74 : vector<1x16xf32> to vector<16xf32>
      %get3A_76 = arith.index_cast %scan3A_67 : i32 to index
      %get3A_77 = arith.constant 0 : index
      %get3A_78 = tpu.vector_load %arg7[%get3A_76, %get3A_77] {strides = array<i32>} : memref<200x64xf32, #tpu.memory_space<vmem>>, vector<1x16xf32>,
      %get3A_79 = vector.shape_cast %get3A_78 : vector<1x16xf32> to vector<16xf32>
      %add3A_80 = arith.addf %get3A_75, %get3A_79 : vector<16xf32>
      %swap3A = arith.index_cast %scan3A_67 : i32 to index
      %swap3A_81 = arith.constant 0 : index
      %swap3A_82 = tpu.vector_load %arg9[%swap3A, %swap3A_81] {strides = array<i32>} : memref<200x64xf32, #tpu.memory_space<vmem>>, vector<1x16xf32>,
      %swap3A_83 = vector.shape_cast %swap3A_82 : vector<1x16xf32> to vector<16xf32>
      %swap3A_84 = vector.shape_cast %add3A_80 : vector<16xf32> to vector<1x16xf32>
      tpu.vector_store %arg9[%swap3A, %swap3A_81], %swap3A_84 {strides = array<i32>} : memref<200x64xf32, #tpu.memory_space<vmem>>, vector<1x16xf32>,
      %get3A_85 = arith.constant 0 : i32
      %get3A_86 = arith.constant 0 : i32
      %get3A_87 = tpu.memref_slice %arg8[%scan3A_37, %get3A_85, %get3A_86] : memref<2x200x128xf32, #tpu.memory_space<vmem>> -> memref<1x200x128xf32, #tpu.memory_space<vmem>>
      %get3A_88 = tpu.memref_squeeze %get3A_87 : memref<1x200x128xf32, #tpu.memory_space<vmem>> -> memref<200x128xf32, #tpu.memory_space<vmem>>
      %get3A_89 = arith.index_cast %scan3A_67 : i32 to index
      %get3A_90 = arith.constant 16 : index
      %get3A_91 = tpu.vector_load %get3A_88[%get3A_89, %get3A_90] {strides = array<i32>} : memref<200x128xf32, #tpu.memory_space<vmem>>, vector<1x16xf32>,
      %get3A_92 = vector.shape_cast %get3A_91 : vector<1x16xf32> to vector<16xf32>
      %get3A_93 = arith.index_cast %scan3A_67 : i32 to index
      %get3A_94 = arith.constant 16 : index
      %get3A_95 = tpu.vector_load %arg7[%get3A_93, %get3A_94] {strides = array<i32>} : memref<200x64xf32, #tpu.memory_space<vmem>>, vector<1x16xf32>,
      %get3A_96 = vector.shape_cast %get3A_95 : vector<1x16xf32> to vector<16xf32>
      %add3A_97 = arith.addf %get3A_92, %get3A_96 : vector<16xf32>
      %swap3A_98 = arith.index_cast %scan3A_67 : i32 to index
      %swap3A_99 = arith.constant 16 : index
      %swap3A_100 = tpu.vector_load %arg9[%swap3A_98, %swap3A_99] {strides = array<i32>} : memref<200x64xf32, #tpu.memory_space<vmem>>, vector<1x16xf32>,
      %swap3A_101 = vector.shape_cast %swap3A_100 : vector<1x16xf32> to vector<16xf32>
      %swap3A_102 = vector.shape_cast %add3A_97 : vector<16xf32> to vector<1x16xf32>
      tpu.vector_store %arg9[%swap3A_98, %swap3A_99], %swap3A_102 {strides = array<i32>} : memref<200x64xf32, #tpu.memory_space<vmem>>, vector<1x16xf32>,
      %get3A_103 = arith.constant 0 : i32
      %get3A_104 = arith.constant 0 : i32
      %get3A_105 = tpu.memref_slice %arg8[%scan3A_37, %get3A_103, %get3A_104] : memref<2x200x128xf32, #tpu.memory_space<vmem>> -> memref<1x200x128xf32, #tpu.memory_space<vmem>>
      %get3A_106 = tpu.memref_squeeze %get3A_105 : memref<1x200x128xf32, #tpu.memory_space<vmem>> -> memref<200x128xf32, #tpu.memory_space<vmem>>
      %get3A_107 = arith.index_cast %scan3A_67 : i32 to index
      %get3A_108 = arith.constant 32 : index
      %get3A_109 = tpu.vector_load %get3A_106[%get3A_107, %get3A_108] {strides = array<i32>} : memref<200x128xf32, #tpu.memory_space<vmem>>, vector<1x16xf32>,
      %get3A_110 = vector.shape_cast %get3A_109 : vector<1x16xf32> to vector<16xf32>
      %get3A_111 = arith.index_cast %scan3A_67 : i32 to index
      %get3A_112 = arith.constant 32 : index
      %get3A_113 = tpu.vector_load %arg7[%get3A_111, %get3A_112] {strides = array<i32>} : memref<200x64xf32, #tpu.memory_space<vmem>>, vector<1x16xf32>,
      %get3A_114 = vector.shape_cast %get3A_113 : vector<1x16xf32> to vector<16xf32>
      %add3A_115 = arith.addf %get3A_110, %get3A_114 : vector<16xf32>
      %swap3A_116 = arith.index_cast %scan3A_67 : i32 to index
      %swap3A_117 = arith.constant 32 : index
      %swap3A_118 = tpu.vector_load %arg9[%swap3A_116, %swap3A_117] {strides = array<i32>} : memref<200x64xf32, #tpu.memory_space<vmem>>, vector<1x16xf32>,
      %swap3A_119 = vector.shape_cast %swap3A_118 : vector<1x16xf32> to vector<16xf32>
      %swap3A_120 = vector.shape_cast %add3A_115 : vector<16xf32> to vector<1x16xf32>
      tpu.vector_store %arg9[%swap3A_116, %swap3A_117], %swap3A_120 {strides = array<i32>} : memref<200x64xf32, #tpu.memory_space<vmem>>, vector<1x16xf32>,
      %get3A_121 = arith.constant 0 : i32
      %get3A_122 = arith.constant 0 : i32
      %get3A_123 = tpu.memref_slice %arg8[%scan3A_37, %get3A_121, %get3A_122] : memref<2x200x128xf32, #tpu.memory_space<vmem>> -> memref<1x200x128xf32, #tpu.memory_space<vmem>>
      %get3A_124 = tpu.memref_squeeze %get3A_123 : memref<1x200x128xf32, #tpu.memory_space<vmem>> -> memref<200x128xf32, #tpu.memory_space<vmem>>
      %get3A_125 = arith.index_cast %scan3A_67 : i32 to index
      %get3A_126 = arith.constant 48 : index
      %get3A_127 = tpu.vector_load %get3A_124[%get3A_125, %get3A_126] {strides = array<i32>} : memref<200x128xf32, #tpu.memory_space<vmem>>, vector<1x16xf32>,
      %get3A_128 = vector.shape_cast %get3A_127 : vector<1x16xf32> to vector<16xf32>
      %get3A_129 = arith.index_cast %scan3A_67 : i32 to index
      %get3A_130 = arith.constant 48 : index
      %get3A_131 = tpu.vector_load %arg7[%get3A_129, %get3A_130] {strides = array<i32>} : memref<200x64xf32, #tpu.memory_space<vmem>>, vector<1x16xf32>,
      %get3A_132 = vector.shape_cast %get3A_131 : vector<1x16xf32> to vector<16xf32>
      %add3A_133 = arith.addf %get3A_128, %get3A_132 : vector<16xf32>
      %swap3A_134 = arith.index_cast %scan3A_67 : i32 to index
      %swap3A_135 = arith.constant 48 : index
      %swap3A_136 = tpu.vector_load %arg9[%swap3A_134, %swap3A_135] {strides = array<i32>} : memref<200x64xf32, #tpu.memory_space<vmem>>, vector<1x16xf32>,
      %swap3A_137 = vector.shape_cast %swap3A_136 : vector<1x16xf32> to vector<16xf32>
      %swap3A_138 = vector.shape_cast %add3A_133 : vector<16xf32> to vector<1x16xf32>
      tpu.vector_store %arg9[%swap3A_134, %swap3A_135], %swap3A_138 {strides = array<i32>} : memref<200x64xf32, #tpu.memory_space<vmem>>, vector<1x16xf32>,
      %scan3A_139 = arith.constant 0 : i32
      scf.yield %scan3A_139 : i32
    }
    %scan3A_44 = arith.constant 200 : i32
    %add3A_45 = arith.constant 6000 : i32
    %add3A_46 = arith.addi %mul3A_2, %add3A_45 : i32
    "tpu.region"() ({
      %run_scoped3A = tpu.sem_alloc : memref<!tpu.dma_semaphore, #tpu.memory_space<semaphore_mem>>
      %dma_start3A_67 = arith.constant 0 : i32
      %dma_start3A_68 = tpu.memref_slice %arg5[%add3A_46, %dma_start3A_67] : memref<204800x64xf32, #tpu.memory_space<hbm>> -> memref<200x64xf32, #tpu.memory_space<hbm>>
      %dma_start3A_69 = arith.constant 0 : i32
      %dma_start3A_70 = tpu.memref_slice %arg5[%add3A_46, %dma_start3A_69] : memref<204800x64xf32, #tpu.memory_space<hbm>> -> memref<200x64xf32, #tpu.memory_space<hbm>>
      tpu.enqueue_dma source(%arg9 : memref<200x64xf32, #tpu.memory_space<vmem>>) target(%dma_start3A_70 : memref<200x64xf32, #tpu.memory_space<hbm>>) target_semaphore(%run_scoped3A : memref<!tpu.dma_semaphore, #tpu.memory_space<semaphore_mem>>)
      %dma_wait3A_71 = arith.constant 0 : i32
      %dma_wait3A_72 = tpu.memref_slice %arg5[%add3A_46, %dma_wait3A_71] : memref<204800x64xf32, #tpu.memory_space<hbm>> -> memref<200x64xf32, #tpu.memory_space<hbm>>
      %dma_wait3A_73 = arith.constant 0 : i32
      %dma_wait3A_74 = tpu.memref_slice %arg5[%add3A_46, %dma_wait3A_73] : memref<204800x64xf32, #tpu.memory_space<hbm>> -> memref<200x64xf32, #tpu.memory_space<hbm>>
      tpu.wait_dma2 semaphore(%run_scoped3A : memref<!tpu.dma_semaphore, #tpu.memory_space<semaphore_mem>>) src(%arg9 : memref<200x64xf32, #tpu.memory_space<vmem>>) dst(%dma_wait3A_74 : memref<200x64xf32, #tpu.memory_space<hbm>>)
      tpu.yield
    }) : () -> ()
    %dma_wait3A_47 = arith.constant 1 : i32
    %dma_wait3A_48 = arith.constant 0 : i32
    %dma_wait3A_49 = arith.constant 0 : i32
    %dma_wait3A_50 = tpu.memref_slice %arg8[%dma_wait3A_47, %dma_wait3A_48, %dma_wait3A_49] : memref<2x200x128xf32, #tpu.memory_space<vmem>> -> memref<1x200x128xf32, #tpu.memory_space<vmem>>
    %dma_wait3A_51 = tpu.memref_squeeze %dma_wait3A_50 : memref<1x200x128xf32, #tpu.memory_space<vmem>> -> memref<200x128xf32, #tpu.memory_space<vmem>>
    %dma_wait3A_52 = arith.constant 6200 : i32
    %dma_wait3A_53 = tpu.memref_slice %arg6[%dma_wait3A_52] : memref<6400xi32, #tpu.memory_space<vmem>> -> memref<200xi32, #tpu.memory_space<vmem>>
    %dma_wait3A_54 = arith.constant 0 : i32
    %dma_wait3A_55 = arith.constant 0 : i32
    %dma_wait3A_56 = tpu.memref_slice %arg2[%dma_wait3A_54, %dma_wait3A_55] : memref<1000000x128xf32, #tpu.memory_space<hbm>> -> memref<1000000x128xf32, #tpu.memory_space<hbm>>
    tpu.wait_indirect_dma semaphore(%arg11 : memref<!tpu.dma_semaphore, #tpu.memory_space<semaphore_mem>>) src(%dma_wait3A_56 : memref<1000000x128xf32, #tpu.memory_space<hbm>>) dst(%dma_wait3A_51 : memref<200x128xf32, #tpu.memory_space<vmem>>)
    %scan3A_57 = arith.constant 1 : i32
    %scan3A_58 = arith.constant 0 : i32
    %scan3A_59 = arith.constant 0 : i32
    %scan3A_60 = arith.constant 200 : i32
    %scan3A_61 = arith.addi %scan3A_59, %scan3A_60 : i32
    %scan3A_62 = arith.constant 1 : i32
    %scan3A_63 = scf.for %scan3A_67 = %scan3A_59 to %scan3A_61 step %scan3A_62 iter_args(%scan3A_68 = %scan3A_58) -> (i32)  : i32 {
      %get3A = arith.constant 0 : i32
      %get3A_69 = arith.constant 0 : i32
      %get3A_70 = tpu.memref_slice %arg8[%scan3A_57, %get3A, %get3A_69] : memref<2x200x128xf32, #tpu.memory_space<vmem>> -> memref<1x200x128xf32, #tpu.memory_space<vmem>>
      %get3A_71 = tpu.memref_squeeze %get3A_70 : memref<1x200x128xf32, #tpu.memory_space<vmem>> -> memref<200x128xf32, #tpu.memory_space<vmem>>
      %get3A_72 = arith.index_cast %scan3A_67 : i32 to index
      %get3A_73 = arith.constant 0 : index
      %get3A_74 = tpu.vector_load %get3A_71[%get3A_72, %get3A_73] {strides = array<i32>} : memref<200x128xf32, #tpu.memory_space<vmem>>, vector<1x16xf32>,
      %get3A_75 = vector.shape_cast %get3A_74 : vector<1x16xf32> to vector<16xf32>
      %get3A_76 = arith.index_cast %scan3A_67 : i32 to index
      %get3A_77 = arith.constant 0 : index
      %get3A_78 = tpu.vector_load %arg7[%get3A_76, %get3A_77] {strides = array<i32>} : memref<200x64xf32, #tpu.memory_space<vmem>>, vector<1x16xf32>,
      %get3A_79 = vector.shape_cast %get3A_78 : vector<1x16xf32> to vector<16xf32>
      %add3A_80 = arith.addf %get3A_75, %get3A_79 : vector<16xf32>
      %swap3A = arith.index_cast %scan3A_67 : i32 to index
      %swap3A_81 = arith.constant 0 : index
      %swap3A_82 = tpu.vector_load %arg9[%swap3A, %swap3A_81] {strides = array<i32>} : memref<200x64xf32, #tpu.memory_space<vmem>>, vector<1x16xf32>,
      %swap3A_83 = vector.shape_cast %swap3A_82 : vector<1x16xf32> to vector<16xf32>
      %swap3A_84 = vector.shape_cast %add3A_80 : vector<16xf32> to vector<1x16xf32>
      tpu.vector_store %arg9[%swap3A, %swap3A_81], %swap3A_84 {strides = array<i32>} : memref<200x64xf32, #tpu.memory_space<vmem>>, vector<1x16xf32>,
      %get3A_85 = arith.constant 0 : i32
      %get3A_86 = arith.constant 0 : i32
      %get3A_87 = tpu.memref_slice %arg8[%scan3A_57, %get3A_85, %get3A_86] : memref<2x200x128xf32, #tpu.memory_space<vmem>> -> memref<1x200x128xf32, #tpu.memory_space<vmem>>
      %get3A_88 = tpu.memref_squeeze %get3A_87 : memref<1x200x128xf32, #tpu.memory_space<vmem>> -> memref<200x128xf32, #tpu.memory_space<vmem>>
      %get3A_89 = arith.index_cast %scan3A_67 : i32 to index
      %get3A_90 = arith.constant 16 : index
      %get3A_91 = tpu.vector_load %get3A_88[%get3A_89, %get3A_90] {strides = array<i32>} : memref<200x128xf32, #tpu.memory_space<vmem>>, vector<1x16xf32>,
      %get3A_92 = vector.shape_cast %get3A_91 : vector<1x16xf32> to vector<16xf32>
      %get3A_93 = arith.index_cast %scan3A_67 : i32 to index
      %get3A_94 = arith.constant 16 : index
      %get3A_95 = tpu.vector_load %arg7[%get3A_93, %get3A_94] {strides = array<i32>} : memref<200x64xf32, #tpu.memory_space<vmem>>, vector<1x16xf32>,
      %get3A_96 = vector.shape_cast %get3A_95 : vector<1x16xf32> to vector<16xf32>
      %add3A_97 = arith.addf %get3A_92, %get3A_96 : vector<16xf32>
      %swap3A_98 = arith.index_cast %scan3A_67 : i32 to index
      %swap3A_99 = arith.constant 16 : index
      %swap3A_100 = tpu.vector_load %arg9[%swap3A_98, %swap3A_99] {strides = array<i32>} : memref<200x64xf32, #tpu.memory_space<vmem>>, vector<1x16xf32>,
      %swap3A_101 = vector.shape_cast %swap3A_100 : vector<1x16xf32> to vector<16xf32>
      %swap3A_102 = vector.shape_cast %add3A_97 : vector<16xf32> to vector<1x16xf32>
      tpu.vector_store %arg9[%swap3A_98, %swap3A_99], %swap3A_102 {strides = array<i32>} : memref<200x64xf32, #tpu.memory_space<vmem>>, vector<1x16xf32>,
      %get3A_103 = arith.constant 0 : i32
      %get3A_104 = arith.constant 0 : i32
      %get3A_105 = tpu.memref_slice %arg8[%scan3A_57, %get3A_103, %get3A_104] : memref<2x200x128xf32, #tpu.memory_space<vmem>> -> memref<1x200x128xf32, #tpu.memory_space<vmem>>
      %get3A_106 = tpu.memref_squeeze %get3A_105 : memref<1x200x128xf32, #tpu.memory_space<vmem>> -> memref<200x128xf32, #tpu.memory_space<vmem>>
      %get3A_107 = arith.index_cast %scan3A_67 : i32 to index
      %get3A_108 = arith.constant 32 : index
      %get3A_109 = tpu.vector_load %get3A_106[%get3A_107, %get3A_108] {strides = array<i32>} : memref<200x128xf32, #tpu.memory_space<vmem>>, vector<1x16xf32>,
      %get3A_110 = vector.shape_cast %get3A_109 : vector<1x16xf32> to vector<16xf32>
      %get3A_111 = arith.index_cast %scan3A_67 : i32 to index
      %get3A_112 = arith.constant 32 : index
      %get3A_113 = tpu.vector_load %arg7[%get3A_111, %get3A_112] {strides = array<i32>} : memref<200x64xf32, #tpu.memory_space<vmem>>, vector<1x16xf32>,
      %get3A_114 = vector.shape_cast %get3A_113 : vector<1x16xf32> to vector<16xf32>
      %add3A_115 = arith.addf %get3A_110, %get3A_114 : vector<16xf32>
      %swap3A_116 = arith.index_cast %scan3A_67 : i32 to index
      %swap3A_117 = arith.constant 32 : index
      %swap3A_118 = tpu.vector_load %arg9[%swap3A_116, %swap3A_117] {strides = array<i32>} : memref<200x64xf32, #tpu.memory_space<vmem>>, vector<1x16xf32>,
      %swap3A_119 = vector.shape_cast %swap3A_118 : vector<1x16xf32> to vector<16xf32>
      %swap3A_120 = vector.shape_cast %add3A_115 : vector<16xf32> to vector<1x16xf32>
      tpu.vector_store %arg9[%swap3A_116, %swap3A_117], %swap3A_120 {strides = array<i32>} : memref<200x64xf32, #tpu.memory_space<vmem>>, vector<1x16xf32>,
      %get3A_121 = arith.constant 0 : i32
      %get3A_122 = arith.constant 0 : i32
      %get3A_123 = tpu.memref_slice %arg8[%scan3A_57, %get3A_121, %get3A_122] : memref<2x200x128xf32, #tpu.memory_space<vmem>> -> memref<1x200x128xf32, #tpu.memory_space<vmem>>
      %get3A_124 = tpu.memref_squeeze %get3A_123 : memref<1x200x128xf32, #tpu.memory_space<vmem>> -> memref<200x128xf32, #tpu.memory_space<vmem>>
      %get3A_125 = arith.index_cast %scan3A_67 : i32 to index
      %get3A_126 = arith.constant 48 : index
      %get3A_127 = tpu.vector_load %get3A_124[%get3A_125, %get3A_126] {strides = array<i32>} : memref<200x128xf32, #tpu.memory_space<vmem>>, vector<1x16xf32>,
      %get3A_128 = vector.shape_cast %get3A_127 : vector<1x16xf32> to vector<16xf32>
      %get3A_129 = arith.index_cast %scan3A_67 : i32 to index
      %get3A_130 = arith.constant 48 : index
      %get3A_131 = tpu.vector_load %arg7[%get3A_129, %get3A_130] {strides = array<i32>} : memref<200x64xf32, #tpu.memory_space<vmem>>, vector<1x16xf32>,
      %get3A_132 = vector.shape_cast %get3A_131 : vector<1x16xf32> to vector<16xf32>
      %add3A_133 = arith.addf %get3A_128, %get3A_132 : vector<16xf32>
      %swap3A_134 = arith.index_cast %scan3A_67 : i32 to index
      %swap3A_135 = arith.constant 48 : index
      %swap3A_136 = tpu.vector_load %arg9[%swap3A_134, %swap3A_135] {strides = array<i32>} : memref<200x64xf32, #tpu.memory_space<vmem>>, vector<1x16xf32>,
      %swap3A_137 = vector.shape_cast %swap3A_136 : vector<1x16xf32> to vector<16xf32>
      %swap3A_138 = vector.shape_cast %add3A_133 : vector<16xf32> to vector<1x16xf32>
      tpu.vector_store %arg9[%swap3A_134, %swap3A_135], %swap3A_138 {strides = array<i32>} : memref<200x64xf32, #tpu.memory_space<vmem>>, vector<1x16xf32>,
      %scan3A_139 = arith.constant 0 : i32
      scf.yield %scan3A_139 : i32
    }
    %scan3A_64 = arith.constant 200 : i32
    %add3A_65 = arith.constant 6200 : i32
    %add3A_66 = arith.addi %mul3A_2, %add3A_65 : i32
    "tpu.region"() ({
      %run_scoped3A = tpu.sem_alloc : memref<!tpu.dma_semaphore, #tpu.memory_space<semaphore_mem>>
      %dma_start3A_67 = arith.constant 0 : i32
      %dma_start3A_68 = tpu.memref_slice %arg5[%add3A_66, %dma_start3A_67] : memref<204800x64xf32, #tpu.memory_space<hbm>> -> memref<200x64xf32, #tpu.memory_space<hbm>>
      %dma_start3A_69 = arith.constant 0 : i32
      %dma_start3A_70 = tpu.memref_slice %arg5[%add3A_66, %dma_start3A_69] : memref<204800x64xf32, #tpu.memory_space<hbm>> -> memref<200x64xf32, #tpu.memory_space<hbm>>
      tpu.enqueue_dma source(%arg9 : memref<200x64xf32, #tpu.memory_space<vmem>>) target(%dma_start3A_70 : memref<200x64xf32, #tpu.memory_space<hbm>>) target_semaphore(%run_scoped3A : memref<!tpu.dma_semaphore, #tpu.memory_space<semaphore_mem>>)
      %dma_wait3A_71 = arith.constant 0 : i32
      %dma_wait3A_72 = tpu.memref_slice %arg5[%add3A_66, %dma_wait3A_71] : memref<204800x64xf32, #tpu.memory_space<hbm>> -> memref<200x64xf32, #tpu.memory_space<hbm>>
      %dma_wait3A_73 = arith.constant 0 : i32
      %dma_wait3A_74 = tpu.memref_slice %arg5[%add3A_66, %dma_wait3A_73] : memref<204800x64xf32, #tpu.memory_space<hbm>> -> memref<200x64xf32, #tpu.memory_space<hbm>>
      tpu.wait_dma2 semaphore(%run_scoped3A : memref<!tpu.dma_semaphore, #tpu.memory_space<semaphore_mem>>) src(%arg9 : memref<200x64xf32, #tpu.memory_space<vmem>>) dst(%dma_wait3A_74 : memref<200x64xf32, #tpu.memory_space<hbm>>)
      tpu.yield
    }) : () -> ()
    return
  }
}

</mosaic_0001>

<sc_bundles>
// kernel: _embed.3.cloned.1.call-start
scs
__scs_entry_jumppad:
0x0: {  	(pc) =	sbr.rel $0x88, $3  }
0x1: {  	(tag) =	ssettag $0x0;
	lr =	simm.s32 $0x1  }
0x2: {  	[smem:$0x3F9E] =	sst lr;
	_ =	strace $0xD0000000  }
0x3: {  	_ = 	snop  }
0x4: {  	_ = 	snop  }
0x5: {  	_ = 	snop  }
0x6: {  	_ = 	snop  }
0x7: {  	_ = 	snop  }
__scs_overlays_trampoline_lowered:
0x8: {  	[smem:$0x3FAD] =	sst s0  }
0x9: {  	[smem:$0x3FAE] =	sst s1  }
0xa: {  	[smem:$0x3FAF] =	sst s2  }
0xb: {  	[smem:$0x3FB0] =	sst s3  }
0xc: {  	[smem:$0x3FB1] =	sst s4  }
0xd: {  	[smem:$0x3FB2] =	sst s5  }
0xe: {  	[smem:$0x3FB3] =	sst s6  }
0xf: {  	[smem:$0x3FB4] =	sst s7  }
0x10: {  	[smem:$0x3FB5] =	sst s8  }
0x11: {  	[smem:$0x3FB6] =	sst s9;
	s0 =	simm.s32 @!p0 $0x0  }
0x12: {  	s1 =	sld [smem:$0x3F9C];
	s0 =	simm.s32 @p0 $0x1  }
0x13: {  	[smem:$0x3FB7] =	sst s0;
	s0 =	simm.s32 @!p1 $0x0  }
0x14: {  	s2 =	sld [smem:$0x3F9B];
	s0 =	simm.s32 @p1 $0x1  }
0x15: {  	[smem:$0x3FB8] =	sst s0;
	s0 =	simm.s32 @!p2 $0x0  }
0x16: {  	s3 =	sld [smem:$0x3FDB];
	s0 =	simm.s32 @p2 $0x1  }
0x17: {  	s4 =	simm.s32 $0x1BF5;
	[smem:$0x3FBA] =	sst s0  }
0x18: {  	s0 =	sld [smem:$0x3F9D];
	_ =	swait.ge [sflag:s4], $0x0  }
0x19: {  	s7 =	sld [smem:$0x3F9E]  }
0x1a: {  	s8 =	sadd.s32 $0xFFFFE003, lr  }
0x1b: {  	s9 =	sadd.s32 $0xFFFFFEF7, lr;
	s5 =	simm.s32 $0xFFFFFFFF;
	p2 =	slt.u32 s8, $0xFFFFF086  }
0x1c: {  	p1 =	slt.u32 s9, $0xF7A;
	s5 =	simm.s32 @!p2 $0x0  }
0x1d: {  	s5 =	simm.s32 @p1 $0x1;
	p0 =	seq.s32 s7, s2  }
0x1e: {  	s7 =	smul.u32 @!p0 $0xF7A, s2;
	p2 =	seq.s32 @!p0 s5, $0x0  }
0x1f: {  	s9 =	smul.u32 $0xF7A, s1;
	s8 =	simm.s32 @!p0 $0x1BF5;
	p2 =	por !p2, p0  }
0x20: {  	[sflag:s8] =	ssyncset.s32 @!p0 $0xFFFFF086;
	s6 =	sadd.s32 @!p0 s3, s7;
	s7 =	simm.s32 @!p0 $0x108  }
0x21: {  	s3 =	sadd.s32 s3, s9;
	s6 =	sadd.s32 @!p0 $0x88, s6;
	s7 =	simm.s32 @p2 $0x1082  }
0x22: {  	[simem:s7], [sflag:s8] =	dma.local @!p0 [hbm:s6], $0xF7A  }
0x23: {  	s9 =	sor.u32 $0xD0000000, s2;
	s6 =	simm.s32 $0x108;
	_ =	swait.ge @!p0 [sflag:s8], $0x0  }
0x24: {  	s3 =	sadd.s32 $0x88, s3;
	s6 =	simm.s32 @!p1 $0x1082;
	[sflag:s4] =	ssyncset.s32 $0xFFFFF086  }
0x25: {  	[simem:s6], [sflag:s4] =	dma.local [hbm:s3], $0xF7A  }
0x26: {  	[smem:$0x3F9E] =	sst s1;
	(tag) =	ssettag s2;
	_ =	strace s9  }
0x27: {  	s1 =	sld [smem:$0x3FAE]  }
0x28: {  	s2 =	sld [smem:$0x3FAF]  }
0x29: {  	s4 =	sld [smem:$0x3FB1]  }
0x2a: {  	p0 =	seq.s32 s5, $0x0;
	s5 =	sld [smem:$0x3FB2]  }
0x2b: {  	s6 =	sld [smem:$0x3FB3]  }
0x2c: {  	s7 =	sld [smem:$0x3FB4]  }
0x2d: {  	s3 =	simm.s32 $0x108;
	s8 =	sld [smem:$0x3FB5]  }
0x2e: {  	s3 =	simm.s32 @!p0 $0x1082;
	s9 =	sld [smem:$0x3FB6]  }
0x2f: {  	lr =	sadd.s32 s0, s3;
	s0 =	sld [smem:$0x3FAD]  }
0x30: {  	s3 =	sld [smem:$0x3FB0]  }
0x31: {  	[smem:$0x3FB9] =	sst s10  }
0x32: {  	s10 =	sld [smem:$0x3FB7];
	_ =	sdelay $0x3  }
0x33: {  	p0 =	seq.s32 s10, $0x1;
	s10 =	sld [smem:$0x3FB9];
	_ =	sdelay $0x3  }
0x34: {  	[smem:$0x3FB9] =	sst s10  }
0x35: {  	s10 =	sld [smem:$0x3FB8];
	_ =	sdelay $0x3  }
0x36: {  	p1 =	seq.s32 s10, $0x1;
	s10 =	sld [smem:$0x3FB9];
	_ =	sdelay $0x3  }
0x37: {  	[smem:$0x3FB9] =	sst s10  }
0x38: {  	s10 =	sld [smem:$0x3FBA]  }
0x39: {  	_ = 	snop;
	(pc) =	sbr.ind lr, $3  }
0x3a: {  	_ = 	snop  }
0x3b: {  	_ = 	snop  }
0x3c: {  	p2 =	seq.s32 s10, $0x1;
	s10 =	sld [smem:$0x3FB9]  }
0x3d: {  	_ =	shalt  }
0x3e: {  	_ =	shalt  }
0x3f: {  	_ =	shalt  }
0x40: {  	_ =	shalt  }
0x41: {  	_ =	shalt  }
0x42: {  	_ =	shalt  }
0x43: {  	_ =	shalt  }
0x44: {  	_ =	shalt  }
0x45: {  	_ =	shalt  }
0x46: {  	_ =	shalt  }
0x47: {  	_ =	shalt  }
0x48: {  	_ =	shalt  }
0x49: {  	_ =	shalt  }
0x4a: {  	_ =	shalt  }
0x4b: {  	_ =	shalt  }
0x4c: {  	_ =	shalt  }
0x4d: {  	_ =	shalt  }
0x4e: {  	_ =	shalt  }
0x4f: {  	_ =	shalt  }
0x50: {  	_ =	shalt  }
0x51: {  	_ =	shalt  }
0x52: {  	_ =	shalt  }
0x53: {  	_ =	shalt  }
0x54: {  	_ =	shalt  }
0x55: {  	_ =	shalt  }
0x56: {  	_ =	shalt  }
0x57: {  	_ =	shalt  }
0x58: {  	_ =	shalt  }
0x59: {  	_ =	shalt  }
0x5a: {  	_ =	shalt  }
0x5b: {  	_ =	shalt  }
0x5c: {  	_ =	shalt  }
0x5d: {  	_ =	shalt  }
0x5e: {  	_ =	shalt  }
0x5f: {  	_ =	shalt  }
0x60: {  	_ =	shalt  }
0x61: {  	_ =	shalt  }
0x62: {  	_ =	shalt  }
0x63: {  	_ =	shalt  }
0x64: {  	_ =	shalt  }
0x65: {  	_ =	shalt  }
0x66: {  	_ =	shalt  }
0x67: {  	_ =	shalt  }
0x68: {  	_ =	shalt  }
0x69: {  	_ =	shalt  }
0x6a: {  	_ =	shalt  }
0x6b: {  	_ =	shalt  }
0x6c: {  	_ =	shalt  }
0x6d: {  	_ =	shalt  }
0x6e: {  	_ =	shalt  }
0x6f: {  	_ =	shalt  }
0x70: {  	_ =	shalt  }
0x71: {  	_ =	shalt  }
0x72: {  	_ =	shalt  }
0x73: {  	_ =	shalt  }
0x74: {  	_ =	shalt  }
0x75: {  	_ =	shalt  }
0x76: {  	_ =	shalt  }
0x77: {  	_ =	shalt  }
0x78: {  	_ =	shalt  }
0x79: {  	_ =	shalt  }
0x7a: {  	_ =	shalt  }
0x7b: {  	_ =	shalt  }
0x7c: {  	_ =	shalt  }
0x7d: {  	_ =	shalt  }
0x7e: {  	_ =	shalt  }
0x7f: {  	_ =	shalt  }
0x80: {  	_ =	shalt  }
0x81: {  	_ =	shalt  }
0x82: {  	_ =	shalt  }
0x83: {  	_ =	shalt  }
0x84: {  	_ =	shalt  }
0x85: {  	_ =	shalt  }
0x86: {  	_ =	shalt  }
0x87: {  	_ =	shalt  }
.Lfunc_end0:
.L_simem_size_0:
called_computation_lowered:
.L_overlay_start_0:
0x88: {  	s2 =	sld [smem:$0x3FD9]  }
0x89: {  	s3 =	sld [smem:$0x3FFE];
	_ =	sdelay $0x1  }
0x8a: {  	s1 =	srdreg.scid  }
0x8b: {  	s0 =	sand.u32 $0x1, s1  }
0x8c: {  	s17 =	sshll.u32 s0, $0xA;
	s2 =	sadd.s32 s3, s2  }
0x8d: {  	s2 =	sadd.s32 s2, s17  }
0x8e: {  	[smem:$0x3FC5] =	sst s2  }
0x8f: {  	_ = 	snop  }
0x90: {  	s2 =	sld [smem:$0x3FC9]  }
0x91: {  	s18 =	sld [smem:$0x3FC8]  }
0x92: {  	s4 =	sld [smem:$0x3FD0];
	(tm) =	ssettm $0x1  }
0x93: {  	s5 =	sld [smem:$0x3FFB];
	_ =	sdelay $0x3  }
0x94: {  	_ =	strace s5  }
0x95: {  	s5 =	sld [smem:$0x3FFC];
	_ =	sdelay $0x3  }
0x96: {  	_ =	strace s5  }
0x97: {  	s5 =	sld [smem:$0x3FFD];
	_ =	sdelay $0x3  }
0x98: {  	_ =	strace s5  }
0x99: {  	_ =	strace $0x8FFFFFFF  }
0x9a: {  	s19 =	sld [smem:$0x3FDB];
	_ =	sdelay $0x1  }
0x9b: {  	s6 =	simm.s32 $_scs_section_size  }
0x9c: {  	s7 =	simm.s32 $_size__tile_overlayer_lowered;
	s8 =	simm.s32 $_tile_overlayer_lowered  }
0x9d: {  	s22 =	simm.s32 $0x1BFF;
	s21 =	sshll.u32 s8, $0x1;
	s5 =	sadd.s32 s6, s19  }
0x9e: {  	s9 =	simm.s32 $0x0;
	s20 =	sshll.u32 s7, $0x1;
	s7 =	sadd.s32 s21, s5  }
0x9f: {  	[timem:s9], [sflag:s22] =	dma.local [hbm:s7], s20  }
0xa0: {  	_ =	swait.ge [sflag:s22], s20  }
0xa1: {  	s6 =	ssub.s32 $0x0, s20;
	[sflag:s22] =	ssyncset.done $0x0  }
0xa2: {  	[sflag:s22] =	ssyncadd.s32 s6;
	_ =	sdelay $0x1  }
0xa3: {  	s23 =	simm.s32 $0x1B8B  }
0xa4: {  	_ =	swait.ge [sflag:s23], $0x1  }
0xa5: {  	[sflag:s23] =	ssyncset.done $0x0  }
0xa6: {  	s25 =	simm.s32 $0x1B8E;
	s24 =	sld [smem:$0x3FFE];
	[sflag:s23] =	ssyncadd.s32 $0xFFFFFFFF  }
0xa7: {  	s26 =	simm.s32 $execute0_lowered;
	[smem:$0x3FD2] =	sst s25  }
0xa8: {  	s7 =	sshll.u32 s26, $0x1;
	_ =	strace $0x80000046;
	[dreg:$0x1] =	wrdreg $0xFFFFFFFF  }
0xa9: {  	s28 =	simm.s32 $_size_execute0_lowered;
	s5 =	sadd.s32 s5, s7;
	[dreg:$0x0] =	wrdreg $0x0  }
0xaa: {  	s7 =	sshll.u32 s28, $0x1;
	[dreg:$0x2] =	wrdreg s5  }
0xab: {  	[dreg:$0x3] =	wrdreg s7  }
0xac: {  	[dreg:$0x4] =	wrdreg $0xC0  }
0xad: {  	_ =	task [dreg:s9], $0x5FFFF  }
0xae: {  	[dreg:$0x1] =	wrdreg $0xFFFFFFFF  }
0xaf: {  	[dreg:$0x0] =	wrdreg $0x60  }
0xb0: {  	[dreg:$0x2] =	wrdreg s18  }
0xb1: {  	[dreg:$0x3] =	wrdreg s2  }
0xb2: {  	[dreg:$0x4] =	wrdreg s4  }
0xb3: {  	[dreg:$0x5] =	wrdreg s24  }
0xb4: {  	[dreg:$0x6] =	wrdreg $0x9  }
0xb5: {  	_ =	task.clear_ibuf [dreg:s9], $0x7FFFF;
	_ =	strace $0x90000046  }
0xb6: {  	s29 =	simm.s32 $0x9;
	_ =	strace $0x80000048  }
0xb7: {  	_ =	swait.ge [sflag:s29], $0x1  }
0xb8: {  	[sflag:s29] =	ssyncadd.s32 $0xFFFFFFFF  }
0xb9: {  	_ =	strace $0x90000048  }
0xba: {  	_ =	sfence  }
0xbb: {  	s30 =	sld [smem:$0x0];
	_ =	sdelay $0x2  }
0xbc: {  	s31 =	sshll.u32 s1, $0xD;
	s1 =	sshrl.u32 s1, $0x2  }
0xbd: {  	s3 =	sand.u32 $0x4000, s31;
	s1 =	sadd.s32 s1, s30  }
0xbe: {  	s0 =	sor.u32 s3, s0;
	s1 =	sshll.u32 s1, $0x11  }
0xbf: {  	s0 =	sor.u32 s1, s0  }
0xc0: {  	s0 =	sadd.s32 $0x8F2B, s0  }
0xc1: {  	[sflag:s0] =	ssyncadd.remote.s32 $0x1  }
0xc2: {  	_ =	sfence.sel $0xFFFF  }
0xc3: {  	[dreg:$0x0] =	wrdreg $0xFFFFFFFF;
	(pc) =	sbr.abs _section_cstart, $3  }
0xc4: {  	[dreg:$0x1] =	wrdreg $0xFFFFFFFF  }
0xc5: {  	_ =	task.clear_ibuf [dreg:s9], $0x2FFFF;
	_ =	strace $0x9FFFFFFF  }
0xc6: {  	(tm) =	ssettm $0x7FFFFFFF  }
0xc7: {  	_ =	shalt  }
tec
execute0_lowered:
.L_overlay_start_1:
0x0: {  	(tag) =	ssettag $0x1  }
0x1: {  	s1 =	rddreg [dreg:$0x0]  }
0x2: {  	s7 =	rddreg [dreg:$0x1]  }
0x3: {  	s2 =	srdreg.scid;
	s3 =	rddreg [dreg:$0x2]  }
0x4: {  	s0 =	stileid.u32;
	s8 =	rddreg [dreg:$0x3]  }
0x5: {  	s4 =	simm.s32 $0x0;
	s12 =	simm.s32 $0x3;
	s13 =	simm.s32 $0x1900  }
0x6: {  	s14 =	simm.s32 $0xC8;
	s15 =	simm.s32 $0x7D00;
	s16 =	simm.s32 $0xE100  }
0x7: {  	s17 =	simm.s32 $0x1;
	s6 =	sand.u32 $0x1, s2;
	s28 =	sshll.u32 s0, $0x1  }
0x8: {  	s18 =	simm.s32 $0x14500;
	s19 =	simm.s32 $0x2;
	s9 =	sor.u32 s6, s28  }
0x9: {  	s20 =	simm.s32 $0x0;
	s2 =	rddreg [dreg:$0x4];
	s5 =	smul.u32 $0x1900, s9  }
0xa: {  	[smem:$0x7FF] =	sst s4;
	s10 =	ssub.s32 $0x2, s6;
	s9 =	smul.u32 $0xC8000, s9  }
0xb: {  	_ =	strace $0x80000047;
	s6 =	sadd.s32 $0x400, s8;
	s29 =	sshrl.u32 s10, $0x1  }
0xc: {  	s11 =	ssub.s32 s10, s29;
	s30 =	sshrl.u32 s5, $0x3;
	s9 =	sshrl.u32 s9, $0x3  }
0xd: {  	s8 =	sor.u32 $0xC8, s5;
	s11 =	smax.u32 s11, $0x1;
	s31 =	sadd.s32 s6, s9  }
0xe: {  	s7 =	sadd.s32 s7, s30;
	s9 =	sadd.s32 $0x17700, s31;
	s10 =	sadd.s32 $0x18380, s31  }
.LBB2_1:
0xf: {  	[tilespmem:s4], [sflag:$0x3] =	stream.linear.gather [hbm4b:s7+s4], $0x1900, $0x38;
	[tilespmem:$0x1A900] =	vst v63  }
0x10: {  	_ =	swait.ge [sflag:s12], $0x1900  }
0x11: {  	[sflag:s12] =	ssyncset.done $0x0  }
0x12: {  	[sflag:s12] =	ssyncadd.s32 $0xFFFFE700  }
0x13: {  	[tilespmem:s13], [sflag:$0x3] =	stream.linear.gather [hbm4b:s3+s4], $0x6400, $0x38;
	[tilespmem:$0x1A900] =	vst v63  }
0x14: {  	_ =	swait.ge [sflag:s12], $0x6400  }
0x15: {  	[sflag:s12] =	ssyncset.done $0x0  }
0x16: {  	[sflag:s12] =	ssyncadd.s32 $0xFFFF9C00  }
0x17: {  	[tilespmem:s15], [sflag:$0x1] =	stream.indirect.gather [hbm4b:s1+s14], $0x80, s4, s14, $0xb8;
	[tilespmem:$0x1A900] =	vst v63  }
0x18: {  	s21 =	simm.s32 $0x0  }
0x19: {  	[tilespmem:s16], [sflag:$0x2] =	stream.indirect.gather [hbm4b:s1+s14], $0x80, s14, s14, $0xb8;
	[tilespmem:$0x1A900] =	vst v63  }
.LBB2_2:
0x1a: {  	_ =	swait.ge [sflag:s17], $0x6400  }
0x1b: {  	[sflag:s17] =	ssyncset.done $0x0  }
0x1c: {  	s22 =	simm.s32 $0x0;
	[sflag:s17] =	ssyncadd.s32 $0xFFFF9C00  }
0x1d: {  	v2 =	vld [tilespmem:s22+$0x7D30]  }
0x1e: {  	v4 =	vld [tilespmem:s22+$0x1930]  }
0x1f: {  	v5 =	vld [tilespmem:s22+$0x7D00]  }
0x20: {  	v6 =	vld [tilespmem:s22+$0x1900]  }
0x21: {  	v1 =	vld [tilespmem:s22+$0x7D10]  }
0x22: {  	v3 =	vld [tilespmem:s22+$0x1910]  }
0x23: {  	v0 =	vld [tilespmem:s22+$0x7D20];
	v7 =	vadd.f32 v4, v2  }
0x24: {  	s23 =	simm.s32 $0x80;
	v4 =	vld [tilespmem:s22+$0x1920]  }
0x25: {  	s24 =	simm.s32 $0x400;
	v2 =	vld [tilespmem:s23+$0x7D30];
	v5 =	vadd.f32 v6, v5;
	[tilespmem:s22+$0x14530] =	vst v7  }
.LBB2_3:
0x26: {  	p0 =	sne.s32 s24, $0x18E00;
	v6 =	vld [tilespmem:s23+$0x1930]  }
0x27: {  	v7 =	vld [tilespmem:s23+$0x7D00];
	[tilespmem:s22+$0x14500] =	vst v5;
	v3 =	vadd.f32 v3, v1  }
0x28: {  	v5 =	vld [tilespmem:s23+$0x1900]  }
.Ltmp0:
0x29: {  	v1 =	vld [tilespmem:s23+$0x7D10];
	[tilespmem:s22+$0x14510] =	vst v3;
	v4 =	vadd.f32 v4, v0;
	(pc) =	sbr.rel @p0 .LBB2_3-.Ltmp0, $4  }
0x2a: {  	v3 =	vld [tilespmem:s23+$0x1910]  }
0x2b: {  	v0 =	vld [tilespmem:s23+$0x7D20];
	v6 =	vadd.f32 v6, v2;
	[tilespmem:s22+$0x14520] =	vst v4;
	s22 =	smov.u32 s23  }
0x2c: {  	s23 =	sshra.s32 s24, $0x2;
	v4 =	vld [tilespmem:s22+$0x1920]  }
0x2d: {  	s24 =	sadd.s32 $0x200, s24;
	v2 =	vld [tilespmem:s23+$0x7D30];
	v5 =	vadd.f32 v5, v7;
	[tilespmem:s22+$0x14530] =	vst v6  }
0x2e: {  	v6 =	vld [tilespmem:s23+$0x1930]  }
0x2f: {  	v7 =	vld [tilespmem:s23+$0x7D00];
	[tilespmem:s22+$0x14500] =	vst v5;
	v1 =	vadd.f32 v3, v1  }
0x30: {  	v3 =	vld [tilespmem:s23+$0x1900]  }
0x31: {  	v5 =	vld [tilespmem:s23+$0x7D10];
	[tilespmem:s22+$0x14510] =	vst v1;
	v0 =	vadd.f32 v4, v0  }
0x32: {  	v1 =	vld [tilespmem:s23+$0x1910]  }
0x33: {  	v4 =	vld [tilespmem:s23+$0x7D20];
	[tilespmem:s22+$0x14520] =	vst v0  }
0x34: {  	v0 =	vld [tilespmem:s23+$0x1920];
	_ =	sdelay $0x1  }
0x35: {  	v2 =	vadd.f32 v6, v2  }
0x36: {  	s22 =	smul.u32 $0x190, s21;
	v3 =	vadd.f32 v3, v7  }
0x37: {  	[tilespmem:s23+$0x14530] =	vst v2;
	v1 =	vadd.f32 v1, v5  }
0x38: {  	s24 =	sadd.s32 s5, s22;
	[tilespmem:s23+$0x14500] =	vst v3;
	v0 =	vadd.f32 v0, v4  }
0x39: {  	s24 =	sshll.u32 s24, $0x4;
	[tilespmem:s23+$0x14510] =	vst v1  }
0x3a: {  	s29 =	simm.s32 $0x0;
	s30 =	smul.u32 $0x640, s21;
	s28 =	sadd.s32 s6, s24;
	[tilespmem:s23+$0x14520] =	vst v0  }
0x3b: {  	[hbm4b:s28+s29] =	stream.linear.scatter [tilespmem:s18], [sflag:$0x3], $0x6400, $0x38;
	[tilespmem:$0x1A900] =	vst v63  }
0x3c: {  	_ =	swait.ge [sflag:s12], $0x6400  }
0x3d: {  	s23 =	sshra.s32 s30, $0x2;
	[sflag:s12] =	ssyncset.done $0x0  }
0x3e: {  	s31 =	sadd.s32 $0x190, s23;
	[sflag:s12] =	ssyncadd.s32 $0xFFFF9C00  }
0x3f: {  	[tilespmem:s15], [sflag:$0x1] =	stream.indirect.gather [hbm4b:s1+s14], $0x80, s31, s14, $0xb8;
	[tilespmem:$0x1A900] =	vst v63  }
0x40: {  	_ =	swait.ge [sflag:s19], $0x6400  }
0x41: {  	[sflag:s19] =	ssyncset.done $0x0  }
0x42: {  	s25 =	simm.s32 $0x0;
	[sflag:s19] =	ssyncadd.s32 $0xFFFF9C00  }
0x43: {  	v2 =	vld [tilespmem:s25+$0xE130]  }
0x44: {  	v4 =	vld [tilespmem:s25+$0x1930]  }
0x45: {  	v5 =	vld [tilespmem:s25+$0xE100]  }
0x46: {  	v6 =	vld [tilespmem:s25+$0x1900]  }
0x47: {  	v1 =	vld [tilespmem:s25+$0xE110]  }
0x48: {  	v3 =	vld [tilespmem:s25+$0x1910]  }
0x49: {  	v0 =	vld [tilespmem:s25+$0xE120];
	v7 =	vadd.f32 v4, v2  }
0x4a: {  	s24 =	simm.s32 $0x80;
	v4 =	vld [tilespmem:s25+$0x1920]  }
0x4b: {  	s26 =	simm.s32 $0x400;
	v2 =	vld [tilespmem:s24+$0xE130];
	v5 =	vadd.f32 v6, v5;
	[tilespmem:s25+$0x14530] =	vst v7  }
.LBB2_5:
0x4c: {  	p0 =	sne.s32 s26, $0x18E00;
	v6 =	vld [tilespmem:s24+$0x1930]  }
0x4d: {  	v7 =	vld [tilespmem:s24+$0xE100];
	[tilespmem:s25+$0x14500] =	vst v5;
	v3 =	vadd.f32 v3, v1  }
0x4e: {  	v5 =	vld [tilespmem:s24+$0x1900]  }
.Ltmp1:
0x4f: {  	v1 =	vld [tilespmem:s24+$0xE110];
	[tilespmem:s25+$0x14510] =	vst v3;
	v4 =	vadd.f32 v4, v0;
	(pc) =	sbr.rel @p0 .LBB2_5-.Ltmp1, $4  }
0x50: {  	v3 =	vld [tilespmem:s24+$0x1910]  }
0x51: {  	v0 =	vld [tilespmem:s24+$0xE120];
	v6 =	vadd.f32 v6, v2;
	[tilespmem:s25+$0x14520] =	vst v4;
	s25 =	smov.u32 s24  }
0x52: {  	s24 =	sshra.s32 s26, $0x2;
	v4 =	vld [tilespmem:s25+$0x1920]  }
0x53: {  	s26 =	sadd.s32 $0x200, s26;
	v2 =	vld [tilespmem:s24+$0xE130];
	v5 =	vadd.f32 v5, v7;
	[tilespmem:s25+$0x14530] =	vst v6  }
0x54: {  	v6 =	vld [tilespmem:s24+$0x1930]  }
0x55: {  	v7 =	vld [tilespmem:s24+$0xE100];
	[tilespmem:s25+$0x14500] =	vst v5;
	v1 =	vadd.f32 v3, v1  }
0x56: {  	v62 =	vld [tilespmem:s24+$0x1900]  }
0x57: {  	v5 =	vld [tilespmem:s24+$0xE110];
	[tilespmem:s25+$0x14510] =	vst v1;
	v0 =	vadd.f32 v4, v0  }
0x58: {  	v1 =	vld [tilespmem:s24+$0x1910]  }
0x59: {  	v63 =	vld [tilespmem:s24+$0xE120];
	[tilespmem:s25+$0x14520] =	vst v0  }
0x5a: {  	v0 =	vld [tilespmem:s24+$0x1920];
	_ =	sdelay $0x1  }
0x5b: {  	v2 =	vadd.f32 v6, v2  }
0x5c: {  	v3 =	vadd.f32 v62, v7  }
0x5d: {  	[tilespmem:s24+$0x14530] =	vst v2;
	v1 =	vadd.f32 v1, v5  }
0x5e: {  	s22 =	sadd.s32 s22, s8;
	[tilespmem:s24+$0x14500] =	vst v3;
	v0 =	vadd.f32 v0, v63  }
0x5f: {  	s21 =	sadd.s32 $0x1, s21;
	s22 =	sshll.u32 s22, $0x4;
	[tilespmem:s24+$0x14510] =	vst v1  }
0x60: {  	p0 =	sne.s32 s21, $0xF;
	s22 =	sadd.s32 s6, s22;
	[tilespmem:s24+$0x14520] =	vst v0  }
0x61: {  	[hbm4b:s22+s4] =	stream.linear.scatter [tilespmem:s18], [sflag:$0x3], $0x6400, $0x38;
	[tilespmem:$0x1A900] =	vst v63  }
.Ltmp2:
0x62: {  	_ = 	snop;
	(pc) =	sbr.rel @p0 .LBB2_2-.Ltmp2, $4  }
0x63: {  	_ =	swait.ge [sflag:s12], $0x6400  }
0x64: {  	[sflag:s12] =	ssyncset.done $0x0  }
0x65: {  	s31 =	sadd.s32 $0x258, s23;
	[sflag:s12] =	ssyncadd.s32 $0xFFFF9C00  }
0x66: {  	[tilespmem:s16], [sflag:$0x2] =	stream.indirect.gather [hbm4b:s1+s14], $0x80, s31, s14, $0xb8;
	[tilespmem:$0x1A900] =	vst v63  }
0x67: {  	_ =	swait.ge [sflag:s17], $0x6400  }
0x68: {  	[sflag:s17] =	ssyncset.done $0x0  }
0x69: {  	s21 =	simm.s32 $0x0;
	[sflag:s17] =	ssyncadd.s32 $0xFFFF9C00  }
0x6a: {  	v2 =	vld [tilespmem:s21+$0x7D30]  }
0x6b: {  	v4 =	vld [tilespmem:s21+$0x1930]  }
0x6c: {  	v5 =	vld [tilespmem:s21+$0x7D00]  }
0x6d: {  	v6 =	vld [tilespmem:s21+$0x1900]  }
0x6e: {  	v1 =	vld [tilespmem:s21+$0x7D10]  }
0x6f: {  	v3 =	vld [tilespmem:s21+$0x1910]  }
0x70: {  	v0 =	vld [tilespmem:s21+$0x7D20];
	v7 =	vadd.f32 v4, v2  }
0x71: {  	s22 =	simm.s32 $0x80;
	v4 =	vld [tilespmem:s21+$0x1920]  }
0x72: {  	s23 =	simm.s32 $0x400;
	v2 =	vld [tilespmem:s22+$0x7D30];
	v5 =	vadd.f32 v6, v5;
	[tilespmem:s21+$0x14530] =	vst v7  }
.LBB2_8:
0x73: {  	p0 =	sne.s32 s23, $0x18E00;
	v6 =	vld [tilespmem:s22+$0x1930]  }
0x74: {  	v7 =	vld [tilespmem:s22+$0x7D00];
	[tilespmem:s21+$0x14500] =	vst v5;
	v3 =	vadd.f32 v3, v1  }
0x75: {  	v5 =	vld [tilespmem:s22+$0x1900]  }
.Ltmp3:
0x76: {  	v1 =	vld [tilespmem:s22+$0x7D10];
	[tilespmem:s21+$0x14510] =	vst v3;
	v4 =	vadd.f32 v4, v0;
	(pc) =	sbr.rel @p0 .LBB2_8-.Ltmp3, $4  }
0x77: {  	v3 =	vld [tilespmem:s22+$0x1910]  }
0x78: {  	v0 =	vld [tilespmem:s22+$0x7D20];
	v6 =	vadd.f32 v6, v2;
	[tilespmem:s21+$0x14520] =	vst v4;
	s21 =	smov.u32 s22  }
0x79: {  	s22 =	sshra.s32 s23, $0x2;
	v4 =	vld [tilespmem:s21+$0x1920]  }
0x7a: {  	s23 =	sadd.s32 $0x200, s23;
	v2 =	vld [tilespmem:s22+$0x7D30];
	v5 =	vadd.f32 v5, v7;
	[tilespmem:s21+$0x14530] =	vst v6  }
0x7b: {  	v6 =	vld [tilespmem:s22+$0x1930]  }
0x7c: {  	v7 =	vld [tilespmem:s22+$0x7D00];
	[tilespmem:s21+$0x14500] =	vst v5;
	v1 =	vadd.f32 v3, v1  }
0x7d: {  	v3 =	vld [tilespmem:s22+$0x1900]  }
0x7e: {  	v5 =	vld [tilespmem:s22+$0x7D10];
	[tilespmem:s21+$0x14510] =	vst v1;
	v0 =	vadd.f32 v4, v0  }
0x7f: {  	v1 =	vld [tilespmem:s22+$0x1910]  }
0x80: {  	v4 =	vld [tilespmem:s22+$0x7D20];
	[tilespmem:s21+$0x14520] =	vst v0  }
0x81: {  	v0 =	vld [tilespmem:s22+$0x1920];
	_ =	sdelay $0x1  }
0x82: {  	v2 =	vadd.f32 v6, v2  }
0x83: {  	v3 =	vadd.f32 v3, v7  }
0x84: {  	[tilespmem:s22+$0x14530] =	vst v2;
	v1 =	vadd.f32 v1, v5  }
0x85: {  	[tilespmem:s22+$0x14500] =	vst v3;
	v0 =	vadd.f32 v0, v4  }
0x86: {  	[tilespmem:s22+$0x14510] =	vst v1  }
0x87: {  	s31 =	simm.s32 $0x0;
	[tilespmem:s22+$0x14520] =	vst v0  }
0x88: {  	[hbm4b:s9+s31] =	stream.linear.scatter [tilespmem:s18], [sflag:$0x3], $0x6400, $0x38;
	[tilespmem:$0x1A900] =	vst v63  }
0x89: {  	_ =	swait.ge [sflag:s12], $0x6400  }
0x8a: {  	[sflag:s12] =	ssyncset.done $0x0  }
0x8b: {  	[sflag:s12] =	ssyncadd.s32 $0xFFFF9C00  }
0x8c: {  	_ =	swait.ge [sflag:s19], $0x6400  }
0x8d: {  	[sflag:s19] =	ssyncset.done $0x0  }
0x8e: {  	s21 =	simm.s32 $0x0;
	[sflag:s19] =	ssyncadd.s32 $0xFFFF9C00  }
0x8f: {  	v2 =	vld [tilespmem:s21+$0xE130]  }
0x90: {  	v4 =	vld [tilespmem:s21+$0x1930]  }
0x91: {  	v5 =	vld [tilespmem:s21+$0xE100]  }
0x92: {  	v6 =	vld [tilespmem:s21+$0x1900]  }
0x93: {  	v1 =	vld [tilespmem:s21+$0xE110]  }
0x94: {  	v3 =	vld [tilespmem:s21+$0x1910]  }
0x95: {  	v0 =	vld [tilespmem:s21+$0xE120];
	v7 =	vadd.f32 v4, v2  }
0x96: {  	s22 =	simm.s32 $0x80;
	v4 =	vld [tilespmem:s21+$0x1920]  }
0x97: {  	s23 =	simm.s32 $0x400;
	v2 =	vld [tilespmem:s22+$0xE130];
	v5 =	vadd.f32 v6, v5;
	[tilespmem:s21+$0x14530] =	vst v7  }
.LBB2_10:
0x98: {  	p0 =	sne.s32 s23, $0x18E00;
	v6 =	vld [tilespmem:s22+$0x1930]  }
0x99: {  	v7 =	vld [tilespmem:s22+$0xE100];
	[tilespmem:s21+$0x14500] =	vst v5;
	v3 =	vadd.f32 v3, v1  }
0x9a: {  	v5 =	vld [tilespmem:s22+$0x1900]  }
.Ltmp4:
0x9b: {  	v1 =	vld [tilespmem:s22+$0xE110];
	[tilespmem:s21+$0x14510] =	vst v3;
	v4 =	vadd.f32 v4, v0;
	(pc) =	sbr.rel @p0 .LBB2_10-.Ltmp4, $4  }
0x9c: {  	v3 =	vld [tilespmem:s22+$0x1910]  }
0x9d: {  	v0 =	vld [tilespmem:s22+$0xE120];
	v6 =	vadd.f32 v6, v2;
	[tilespmem:s21+$0x14520] =	vst v4;
	s21 =	smov.u32 s22  }
0x9e: {  	s22 =	sshra.s32 s23, $0x2;
	v4 =	vld [tilespmem:s21+$0x1920]  }
0x9f: {  	s23 =	sadd.s32 $0x200, s23;
	v2 =	vld [tilespmem:s22+$0xE130];
	v5 =	vadd.f32 v5, v7;
	[tilespmem:s21+$0x14530] =	vst v6  }
0xa0: {  	v6 =	vld [tilespmem:s22+$0x1930]  }
0xa1: {  	v7 =	vld [tilespmem:s22+$0xE100];
	[tilespmem:s21+$0x14500] =	vst v5;
	v1 =	vadd.f32 v3, v1  }
0xa2: {  	v62 =	vld [tilespmem:s22+$0x1900]  }
0xa3: {  	v5 =	vld [tilespmem:s22+$0xE110];
	[tilespmem:s21+$0x14510] =	vst v1;
	v0 =	vadd.f32 v4, v0  }
0xa4: {  	v1 =	vld [tilespmem:s22+$0x1910]  }
0xa5: {  	v63 =	vld [tilespmem:s22+$0xE120];
	[tilespmem:s21+$0x14520] =	vst v0  }
0xa6: {  	v0 =	vld [tilespmem:s22+$0x1920];
	_ =	sdelay $0x1  }
0xa7: {  	v2 =	vadd.f32 v6, v2  }
0xa8: {  	v3 =	vadd.f32 v62, v7  }
0xa9: {  	[tilespmem:s22+$0x14530] =	vst v2;
	v1 =	vadd.f32 v1, v5  }
0xaa: {  	s20 =	sadd.s32 $0x1, s20;
	[tilespmem:s22+$0x14500] =	vst v3;
	v0 =	vadd.f32 v0, v63  }
0xab: {  	p0 =	sne.s32 s20, s11;
	[tilespmem:s22+$0x14510] =	vst v1  }
.Ltmp5:
0xac: {  	[tilespmem:s22+$0x14520] =	vst v0;
	(pc) =	sbr.rel @p0 .LBB2_1-.Ltmp5, $4  }
0xad: {  	[hbm4b:s10+s4] =	stream.linear.scatter [tilespmem:s18], [sflag:$0x3], $0x6400, $0x38;
	[tilespmem:$0x1A900] =	vst v63  }
0xae: {  	_ =	swait.ge [sflag:s12], $0x6400  }
0xaf: {  	[sflag:s12] =	ssyncset.done $0x0  }
0xb0: {  	[sflag:s12] =	ssyncadd.s32 $0xFFFF9C00  }
0xb1: {  	_ =	sfence.sel $0x180000  }
0xb2: {  	[bflag:$0x0] =	sbarrier.arrive $0xFFFF  }
0xb3: {  	p0 =	sne.s32 s0, $0x0;
	_ =	strace $0x90000047  }
0xb4: {  	s0 =	sadd.s32 @!p0 $0x100000, s2;
	[bflag:$0x2] =	sbarrier.arrive $0xFFFF  }
0xb5: {  	[sflag:s0] =	ssyncadd.tile.s32 @!p0 $0x1;
	_ =	shalt  }
.Lfunc_end2:
_tile_overlayer_lowered:
.L_overlay_start_2:
0xb6: {  	(tag) =	ssettag $0x2  }
0xb7: {  	s0 =	rddreg [dreg:$0x0];
	s2 =	stileid.u32  }
0xb8: {  	s1 =	rddreg [dreg:$0x1];
	p0 =	sne.s32 s2, $0x0  }
0xb9: {  	s3 =	rddreg [dreg:$0x2];
	[bflag:$0x3] =	sbarrier.arrive $0xFFFF;
	s2 =	simm.s32 @!p0 $0x1C03  }
0xba: {  	[timem:s3], [sflag:s2] =	dma.local @!p0 [hbm:s0], s1  }
0xbb: {  	s0 =	simm.s32 @!p0 $0x3  }
0xbc: {  	_ =	swait.ge @!p0 [sflag:s0], s1  }
0xbd: {  	s1 =	ssub.s32 @!p0 $0x0, s1;
	[sflag:s0] =	ssyncset.done @!p0 $0x0  }
0xbe: {  	[sflag:s0] =	ssyncadd.s32 @!p0 s1  }
0xbf: {  	[bflag:$0x3] =	sbarrier.arrive $0xFFFF  }
0xc0: {  	_ =	shalt  }

</sc_bundles>
